<compile_context>
chip_gen: v7x
topology: tpu7x:2x2x1
jax: 0.10.2.dev20260603
libtpu: 0.0.44.dev20260713+nightly
codegen_flags: <defaults>
</compile_context>

<pallas_src>
import functools

import jax
import jax.numpy as jnp
from jax import lax
from jax.experimental import pallas as pl
from jax.experimental.pallas import tpu as pltpu
from jax.experimental.pallas import tpu_sc as plsc

N_NODES = 10000
NP = 10240
E = 320000
CHUNK = 128
NCHT = 2500
NCH = 160
RPT = NP // 16
BLK = 2048
NBLK = NP // BLK


def _seg_sum_colsplit(width, table2, init2, idx3):
  mesh = plsc.VectorSubcoreMesh(core_axis_name="c", subcore_axis_name="s")

  @functools.partial(
      pl.kernel,
      out_type=jax.ShapeDtypeStruct((2, NP, width), jnp.float32),
      mesh=mesh,
      compiler_params=pltpu.CompilerParams(use_tc_tiling_on_sc=False),
      scratch_types=[
          pltpu.VMEM((NCH, 2, CHUNK), jnp.int32),
          pltpu.VMEM((2, CHUNK, width), jnp.float32),
          pltpu.VMEM_SHARED((NP, width), jnp.float32),
          pltpu.VMEM_SHARED((NP, width), jnp.float32),
          pltpu.SemaphoreType.DMA((2,)),
      ],
  )
  def seg(table_hbm, init_hbm, idx_hbm, out_hbm,
          sd_v, rows_v, acc_sh, table_sh, sem):
    cid = lax.axis_index("c")
    sid = lax.axis_index("s")
    base = jnp.minimum(sid * NCH, NCHT - NCH)
    skip = sid * NCH - base
    pltpu.sync_copy(init_hbm.at[cid, pl.ds(sid * RPT, RPT)],
                    acc_sh.at[pl.ds(sid * RPT, RPT)])
    pltpu.sync_copy(table_hbm.at[cid, pl.ds(sid * RPT, RPT)],
                    table_sh.at[pl.ds(sid * RPT, RPT)])
    pltpu.sync_copy(idx_hbm.at[pl.ds(base, NCH)], sd_v)
    plsc.subcore_barrier()

    pltpu.async_copy(table_sh.at[sd_v.at[skip, 0]], rows_v.at[0], sem.at[0])

    def body(j, carry):
      @pl.when(j + 1 < NCH)
      def _():
        pltpu.async_copy(table_sh.at[sd_v.at[j + 1, 0]],
                         rows_v.at[(j + 1) % 2], sem.at[(j + 1) % 2])
      pltpu.make_async_copy(table_sh.at[sd_v.at[j, 0]], rows_v.at[j % 2],
                            sem.at[j % 2]).wait()
      pltpu.sync_copy(rows_v.at[j % 2], acc_sh.at[sd_v.at[j, 1]], add=True)
      return carry

    lax.fori_loop(skip, NCH, body, 0)
    plsc.subcore_barrier()
    pltpu.sync_copy(acc_sh.at[pl.ds(sid * RPT, RPT)],
                    out_hbm.at[cid, pl.ds(sid * RPT, RPT)])

  return seg(table2, init2, idx3)


def _seg_sum_combined(width, yh, idx3):
  mesh = plsc.VectorSubcoreMesh(core_axis_name="c", subcore_axis_name="s")

  @functools.partial(
      pl.kernel,
      out_type=jax.ShapeDtypeStruct((NP, width), jnp.float32),
      mesh=mesh,
      compiler_params=pltpu.CompilerParams(use_tc_tiling_on_sc=False),
      scratch_types=[
          pltpu.VMEM((NCH, 2, CHUNK), jnp.int32),
          pltpu.VMEM((2, CHUNK, width), jnp.float32),
          pltpu.VMEM_SHARED((NP, width), jnp.float32),
          pltpu.VMEM_SHARED((NP, width), jnp.float32),
          pltpu.SemaphoreType.DMA((2,)),
      ],
  )
  def seg(yh_hbm, idx_hbm, out_hbm, sd_v, rows_v, acc_sh, table_sh, sem):
    cid = lax.axis_index("c")
    sid = lax.axis_index("s")
    base = jnp.minimum(sid * NCH, NCHT - NCH)
    skip = sid * NCH - base
    pltpu.sync_copy(yh_hbm.at[cid, 0, pl.ds(sid * RPT, RPT)],
                    acc_sh.at[pl.ds(sid * RPT, RPT)])
    pltpu.sync_copy(yh_hbm.at[cid, 1, pl.ds(sid * RPT, RPT)],
                    table_sh.at[pl.ds(sid * RPT, RPT)])
    pltpu.sync_copy(idx_hbm.at[pl.ds(base, NCH)], sd_v)
    plsc.subcore_barrier()

    pltpu.async_copy(table_sh.at[sd_v.at[skip, 0]], rows_v.at[0], sem.at[0])

    def body(j, carry):
      @pl.when(j + 1 < NCH)
      def _():
        pltpu.async_copy(table_sh.at[sd_v.at[j + 1, 0]],
                         rows_v.at[(j + 1) % 2], sem.at[(j + 1) % 2])
      pltpu.make_async_copy(table_sh.at[sd_v.at[j, 0]], rows_v.at[j % 2],
                            sem.at[j % 2]).wait()
      pltpu.sync_copy(rows_v.at[j % 2], acc_sh.at[sd_v.at[j, 1]], add=True)
      return carry

    lax.fori_loop(skip, NCH, body, 0)
    plsc.subcore_barrier()

    @pl.when(cid == 0)
    def _():
      pltpu.sync_copy(acc_sh.at[pl.ds(sid * RPT, RPT)],
                      out_hbm.at[pl.ds(sid * RPT, RPT)])

  return seg(yh, idx3)


def _tc_xb(x, W1b2):
  def body(x_ref, wb_ref, xb_ref):
    xv = x_ref[...]
    xb_ref[0] = jnp.dot(xv, wb_ref[0], preferred_element_type=jnp.float32)
    xb_ref[1] = jnp.dot(xv, wb_ref[1], preferred_element_type=jnp.float32)

  return pl.pallas_call(
      body,
      grid=(NBLK,),
      in_specs=[
          pl.BlockSpec((BLK, 128), lambda i: (i, 0)),
          pl.BlockSpec((2, 128, 32), lambda i: (0, 0, 0)),
      ],
      out_specs=pl.BlockSpec((2, BLK, 32), lambda i: (0, i, 0)),
      out_shape=jax.ShapeDtypeStruct((2, NP, 32), jnp.float32),
  )(x, W1b2)


def _tc_xa(x, W1a):
  def body(x_ref, wa_ref, xa_ref):
    xa_ref[...] = jnp.dot(x_ref[...], wa_ref[...],
                          preferred_element_type=jnp.float32)

  return pl.pallas_call(
      body,
      grid=(NBLK,),
      in_specs=[
          pl.BlockSpec((BLK, 128), lambda i: (i, 0)),
          pl.BlockSpec((128, 64), lambda i: (0, 0)),
      ],
      out_specs=pl.BlockSpec((BLK, 64), lambda i: (i, 0)),
      out_shape=jax.ShapeDtypeStruct((NP, 64), jnp.float32),
  )(x, W1a)


def _tc2(xa, p, b1r, W2a2, W2b2, b2r2):
  def body(xa_ref, p_ref, b1_ref, wa_ref, wb_ref, b2_ref, yh_ref):
    h = xa_ref[...] + jnp.concatenate([p_ref[0], p_ref[1]], axis=1)
    h = jnp.maximum(h + b1_ref[...], 0.0)
    yh_ref[0, 0] = jnp.dot(h, wa_ref[0],
                           preferred_element_type=jnp.float32) + b2_ref[0]
    yh_ref[1, 0] = jnp.dot(h, wa_ref[1],
                           preferred_element_type=jnp.float32) + b2_ref[1]
    yh_ref[0, 1] = jnp.dot(h, wb_ref[0], preferred_element_type=jnp.float32)
    yh_ref[1, 1] = jnp.dot(h, wb_ref[1], preferred_element_type=jnp.float32)

  return pl.pallas_call(
      body,
      grid=(NBLK,),
      in_specs=[
          pl.BlockSpec((BLK, 64), lambda i: (i, 0)),
          pl.BlockSpec((2, BLK, 32), lambda i: (0, i, 0)),
          pl.BlockSpec((1, 64), lambda i: (0, 0)),
          pl.BlockSpec((2, 64, 8), lambda i: (0, 0, 0)),
          pl.BlockSpec((2, 64, 8), lambda i: (0, 0, 0)),
          pl.BlockSpec((2, 1, 8), lambda i: (0, 0, 0)),
      ],
      out_specs=pl.BlockSpec((2, 2, BLK, 8), lambda i: (0, 0, i, 0)),
      out_shape=jax.ShapeDtypeStruct((2, 2, NP, 8), jnp.float32),
  )(xa, p, b1r, W2a2, W2b2, b2r2)


def kernel(x, edge_index, W1, b1, W2, b2):
  idx3 = jnp.transpose(
      edge_index.astype(jnp.int32).reshape(2, NCHT, CHUNK), (1, 0, 2))
  W1a = W1[:128]
  W1b2 = jnp.stack([W1[128:, :32], W1[128:, 32:]])
  W2p = jnp.pad(W2, ((0, 0), (0, 11)))
  W2a2 = jnp.stack([W2p[:64, :8], W2p[:64, 8:]])
  W2b2 = jnp.stack([W2p[64:, :8], W2p[64:, 8:]])
  b2p = jnp.pad(b2, (0, 11))
  b2r2 = jnp.stack([b2p[:8].reshape(1, 8), b2p[8:].reshape(1, 8)])
  b1r = b1.reshape(1, 64)
  zeros32 = jnp.zeros((2, NP, 32), jnp.float32)

  xb2 = _tc_xb(x, W1b2)
  xa = _tc_xa(x, W1a)
  p = _seg_sum_colsplit(32, xb2, zeros32, idx3)
  yh = _tc2(xa, p, b1r, W2a2, W2b2, b2r2)
  q = _seg_sum_combined(8, yh, idx3)
  return q[:N_NODES, :5]

# --- scband reference (transcript-rebuilt; emitter-appended) ---
"""Pipeline reference for scband-p1-gcn-10436770529504 (READ-ONLY COPY).

The authoritative reference and input builder live on the scoring server;
editing this copy changes nothing except your own understanding.
"""

import jax
import jax.numpy as jnp
import numpy as np

N_NODES = 10000
N_EDGES = 320000
D_FEAT = 128
HIDDEN = 64
N_CLASSES = 5


def setup_inputs(seed: int = 0) -> dict:
    key = jax.random.key(seed)
    k1, k2, k3, k4, k5, k6 = jax.random.split(key, 6)
    x = jax.random.normal(k1, (N_NODES, D_FEAT), dtype=jnp.float32)
    edge_index = jax.random.randint(k2, (2, N_EDGES), 0, N_NODES, dtype=jnp.int32)
    # ConvolutionalLayer_1P on ptensors1 (single-atom domains): the 1P gather
    # produces 2 linmaps per channel (self + reduced-neighborhood), so the
    # linear layer has 2*in_channels input features.
    W1 = jax.random.normal(k3, (2 * D_FEAT, HIDDEN), dtype=jnp.float32) / np.sqrt(2 * D_FEAT)
    b1 = jnp.zeros((HIDDEN,), dtype=jnp.float32)
    W2 = jax.random.normal(k4, (2 * HIDDEN, N_CLASSES), dtype=jnp.float32) / np.sqrt(2 * HIDDEN)
    b2 = jnp.zeros((N_CLASSES,), dtype=jnp.float32)
    return {"x": x, "edge_index": edge_index, "W1": W1, "b1": b1, "W2": W2, "b2": b2}


def _conv_1p(h, src, dst, W, b, num_nodes):
    # gather neighbor features along edges and sum-reduce into destination
    # nodes (reduction_type="sum"), then concat with the self (broadcast)
    # linmap and apply the linear transform.
    msg = jnp.take(h, src, axis=0)
    agg = jax.ops.segment_sum(msg, dst, num_segments=num_nodes)
    combined = jnp.concatenate([h, agg], axis=1)
    return combined @ W + b


def reference(x, edge_index, W1, b1, W2, b2):
    src = edge_index[0]
    dst = edge_index[1]
    n = x.shape[0]
    # ptens.linmaps1 on order-0 ptensors with singleton atoms: identity embed
    h = x
    h = _conv_1p(h, src, dst, W1, b1, n)
    h = jax.nn.relu(h)
    # dropout (eval mode): identity
    h = _conv_1p(h, src, dst, W2, b2, n)
    # ptens.linmaps0 on singleton-atom ptensors1: reduce -> identity
    return h

if __name__ == "__main__":
    import jax
    _d = setup_inputs()
    print(jax.jit(kernel)(*tuple(_d.values())))

</pallas_src>

<mosaic_0001>
#map = affine_map<(d0, d1) -> (0, 0, 0, 0)>
#map1 = affine_map<(d0, d1) -> (0, 0, 0)>
#map2 = affine_map<(d0, d1) -> (0, 0)>
module attributes {stable_mosaic.version = 14 : i64} {
  func.func @seg(%arg0: i32, %arg1: i32, %arg2: memref<2x2x10240x8xf32, #tpu.memory_space<hbm>>, %arg3: memref<2500x2x128xi32, #tpu.memory_space<hbm>>, %arg4: memref<10240x8xf32, #tpu.memory_space<hbm>>, %arg5: memref<160x2x128xi32, #tpu.memory_space<vmem>>, %arg6: memref<2x128x8xf32, #tpu.memory_space<vmem>>, %arg7: memref<10240x8xf32, #tpu.memory_space<vmem_shared>>, %arg8: memref<10240x8xf32, #tpu.memory_space<vmem_shared>>, %arg9: memref<2x!tpu.dma_semaphore, #tpu.memory_space<semaphore_mem>>) attributes {dimension_semantics = [#tpu.dimension_semantics<core_parallel>, #tpu.dimension_semantics<subcore_parallel>], iteration_bounds = array<i64: 2, 16>, scalar_prefetch = 0 : i64, scratch_operands = 5 : i64, tpu.core_type = #tpu.core_type<sc_vector_subcore>, window_params = [{transform_indices = #map}, {transform_indices = #map1}, {transform_indices = #map2}]} {
    %mul3A = arith.constant 160 : i32
    %mul3A_0 = arith.muli %arg1, %mul3A : i32
    %min3A = arith.constant 2340 : i32
    %min3A_1 = arith.minsi %mul3A_0, %min3A : i32
    %mul3A_2 = arith.constant 160 : i32
    %mul3A_3 = arith.muli %arg1, %mul3A_2 : i32
    %sub3A = arith.subi %mul3A_3, %min3A_1 : i32
    %mul3A_4 = arith.constant 640 : i32
    %mul3A_5 = arith.muli %arg1, %mul3A_4 : i32
    %mul3A_6 = arith.constant 640 : i32
    %mul3A_7 = arith.muli %arg1, %mul3A_6 : i32
    %run_scoped3A = arith.constant 0 : i32
    "tpu.region"() ({
      %run_scoped3A_39 = tpu.sem_alloc : memref<!tpu.dma_semaphore, #tpu.memory_space<semaphore_mem>>
      %dma_start3A_40 = arith.constant 0 : i32
      %dma_start3A_41 = tpu.memref_slice %arg7[%mul3A_7, %dma_start3A_40] : memref<10240x8xf32, #tpu.memory_space<vmem_shared>> -> memref<640x8xf32, #tpu.memory_space<vmem_shared>>
      %dma_start3A_42 = arith.constant 0 : i32
      %dma_start3A_43 = tpu.memref_slice %arg2[%arg0, %run_scoped3A, %mul3A_5, %dma_start3A_42] : memref<2x2x10240x8xf32, #tpu.memory_space<hbm>> -> memref<1x1x640x8xf32, #tpu.memory_space<hbm>>
      %dma_start3A_44 = tpu.memref_squeeze %dma_start3A_43 : memref<1x1x640x8xf32, #tpu.memory_space<hbm>> -> memref<640x8xf32, #tpu.memory_space<hbm>>
      tpu.enqueue_dma source(%dma_start3A_44 : memref<640x8xf32, #tpu.memory_space<hbm>>) target(%dma_start3A_41 : memref<640x8xf32, #tpu.memory_space<vmem_shared>>) target_semaphore(%run_scoped3A_39 : memref<!tpu.dma_semaphore, #tpu.memory_space<semaphore_mem>>)
      %dma_wait3A = arith.constant 0 : i32
      %dma_wait3A_45 = tpu.memref_slice %arg7[%mul3A_7, %dma_wait3A] : memref<10240x8xf32, #tpu.memory_space<vmem_shared>> -> memref<640x8xf32, #tpu.memory_space<vmem_shared>>
      %dma_wait3A_46 = arith.constant 0 : i32
      %dma_wait3A_47 = tpu.memref_slice %arg2[%arg0, %run_scoped3A, %mul3A_5, %dma_wait3A_46] : memref<2x2x10240x8xf32, #tpu.memory_space<hbm>> -> memref<1x1x640x8xf32, #tpu.memory_space<hbm>>
      %dma_wait3A_48 = tpu.memref_squeeze %dma_wait3A_47 : memref<1x1x640x8xf32, #tpu.memory_space<hbm>> -> memref<640x8xf32, #tpu.memory_space<hbm>>
      tpu.wait_dma2 semaphore(%run_scoped3A_39 : memref<!tpu.dma_semaphore, #tpu.memory_space<semaphore_mem>>) src(%dma_wait3A_48 : memref<640x8xf32, #tpu.memory_space<hbm>>) dst(%dma_wait3A_45 : memref<640x8xf32, #tpu.memory_space<vmem_shared>>)
      tpu.yield
    }) : () -> ()
    %mul3A_8 = arith.constant 640 : i32
    %mul3A_9 = arith.muli %arg1, %mul3A_8 : i32
    %mul3A_10 = arith.constant 640 : i32
    %mul3A_11 = arith.muli %arg1, %mul3A_10 : i32
    %run_scoped3A_12 = arith.constant 1 : i32
    "tpu.region"() ({
      %run_scoped3A_39 = tpu.sem_alloc : memref<!tpu.dma_semaphore, #tpu.memory_space<semaphore_mem>>
      %dma_start3A_40 = arith.constant 0 : i32
      %dma_start3A_41 = tpu.memref_slice %arg8[%mul3A_11, %dma_start3A_40] : memref<10240x8xf32, #tpu.memory_space<vmem_shared>> -> memref<640x8xf32, #tpu.memory_space<vmem_shared>>
      %dma_start3A_42 = arith.constant 0 : i32
      %dma_start3A_43 = tpu.memref_slice %arg2[%arg0, %run_scoped3A_12, %mul3A_9, %dma_start3A_42] : memref<2x2x10240x8xf32, #tpu.memory_space<hbm>> -> memref<1x1x640x8xf32, #tpu.memory_space<hbm>>
      %dma_start3A_44 = tpu.memref_squeeze %dma_start3A_43 : memref<1x1x640x8xf32, #tpu.memory_space<hbm>> -> memref<640x8xf32, #tpu.memory_space<hbm>>
      tpu.enqueue_dma source(%dma_start3A_44 : memref<640x8xf32, #tpu.memory_space<hbm>>) target(%dma_start3A_41 : memref<640x8xf32, #tpu.memory_space<vmem_shared>>) target_semaphore(%run_scoped3A_39 : memref<!tpu.dma_semaphore, #tpu.memory_space<semaphore_mem>>)
      %dma_wait3A = arith.constant 0 : i32
      %dma_wait3A_45 = tpu.memref_slice %arg8[%mul3A_11, %dma_wait3A] : memref<10240x8xf32, #tpu.memory_space<vmem_shared>> -> memref<640x8xf32, #tpu.memory_space<vmem_shared>>
      %dma_wait3A_46 = arith.constant 0 : i32
      %dma_wait3A_47 = tpu.memref_slice %arg2[%arg0, %run_scoped3A_12, %mul3A_9, %dma_wait3A_46] : memref<2x2x10240x8xf32, #tpu.memory_space<hbm>> -> memref<1x1x640x8xf32, #tpu.memory_space<hbm>>
      %dma_wait3A_48 = tpu.memref_squeeze %dma_wait3A_47 : memref<1x1x640x8xf32, #tpu.memory_space<hbm>> -> memref<640x8xf32, #tpu.memory_space<hbm>>
      tpu.wait_dma2 semaphore(%run_scoped3A_39 : memref<!tpu.dma_semaphore, #tpu.memory_space<semaphore_mem>>) src(%dma_wait3A_48 : memref<640x8xf32, #tpu.memory_space<hbm>>) dst(%dma_wait3A_45 : memref<640x8xf32, #tpu.memory_space<vmem_shared>>)
      tpu.yield
    }) : () -> ()
    "tpu.region"() ({
      %run_scoped3A_39 = tpu.sem_alloc : memref<!tpu.dma_semaphore, #tpu.memory_space<semaphore_mem>>
      %dma_start3A_40 = arith.constant 0 : i32
      %dma_start3A_41 = arith.constant 0 : i32
      %dma_start3A_42 = tpu.memref_slice %arg3[%min3A_1, %dma_start3A_40, %dma_start3A_41] : memref<2500x2x128xi32, #tpu.memory_space<hbm>> -> memref<160x2x128xi32, #tpu.memory_space<hbm>>
      %dma_start3A_43 = arith.constant 0 : i32
      %dma_start3A_44 = arith.constant 0 : i32
      %dma_start3A_45 = tpu.memref_slice %arg3[%min3A_1, %dma_start3A_43, %dma_start3A_44] : memref<2500x2x128xi32, #tpu.memory_space<hbm>> -> memref<160x2x128xi32, #tpu.memory_space<hbm>>
      tpu.enqueue_dma source(%dma_start3A_45 : memref<160x2x128xi32, #tpu.memory_space<hbm>>) target(%arg5 : memref<160x2x128xi32, #tpu.memory_space<vmem>>) target_semaphore(%run_scoped3A_39 : memref<!tpu.dma_semaphore, #tpu.memory_space<semaphore_mem>>)
      %dma_wait3A = arith.constant 0 : i32
      %dma_wait3A_46 = arith.constant 0 : i32
      %dma_wait3A_47 = tpu.memref_slice %arg3[%min3A_1, %dma_wait3A, %dma_wait3A_46] : memref<2500x2x128xi32, #tpu.memory_space<hbm>> -> memref<160x2x128xi32, #tpu.memory_space<hbm>>
      %dma_wait3A_48 = arith.constant 0 : i32
      %dma_wait3A_49 = arith.constant 0 : i32
      %dma_wait3A_50 = tpu.memref_slice %arg3[%min3A_1, %dma_wait3A_48, %dma_wait3A_49] : memref<2500x2x128xi32, #tpu.memory_space<hbm>> -> memref<160x2x128xi32, #tpu.memory_space<hbm>>
      tpu.wait_dma2 semaphore(%run_scoped3A_39 : memref<!tpu.dma_semaphore, #tpu.memory_space<semaphore_mem>>) src(%dma_wait3A_50 : memref<160x2x128xi32, #tpu.memory_space<hbm>>) dst(%arg5 : memref<160x2x128xi32, #tpu.memory_space<vmem>>)
      tpu.yield
    }) : () -> ()
    %barrier3A = arith.constant 0 : index
    tpu.barrier barrier_id(%barrier3A)
    %dma_start3A = arith.constant 0 : i32
    %dma_start3A_13 = arith.constant 0 : i32
    %dma_start3A_14 = arith.constant 0 : i32
    %dma_start3A_15 = arith.constant 0 : i32
    %dma_start3A_16 = arith.constant 0 : i32
    %dma_start3A_17 = tpu.memref_slice %arg6[%dma_start3A_13, %dma_start3A_15, %dma_start3A_16] : memref<2x128x8xf32, #tpu.memory_space<vmem>> -> memref<1x128x8xf32, #tpu.memory_space<vmem>>
    %dma_start3A_18 = tpu.memref_squeeze %dma_start3A_17 : memref<1x128x8xf32, #tpu.memory_space<vmem>> -> memref<128x8xf32, #tpu.memory_space<vmem>>
    %dma_start3A_19 = arith.constant 0 : i32
    %dma_start3A_20 = tpu.memref_slice %arg5[%sub3A, %dma_start3A, %dma_start3A_19] : memref<160x2x128xi32, #tpu.memory_space<vmem>> -> memref<1x1x128xi32, #tpu.memory_space<vmem>>
    %dma_start3A_21 = tpu.memref_squeeze %dma_start3A_20 : memref<1x1x128xi32, #tpu.memory_space<vmem>> -> memref<128xi32, #tpu.memory_space<vmem>>
    %dma_start3A_22 = arith.constant 0 : i32
    %dma_start3A_23 = arith.constant 0 : i32
    %dma_start3A_24 = tpu.memref_slice %arg8[%dma_start3A_22, %dma_start3A_23] : memref<10240x8xf32, #tpu.memory_space<vmem_shared>> -> memref<10240x8xf32, #tpu.memory_space<vmem_shared>>
    %dma_start3A_25 = tpu.memref_slice %arg9[%dma_start3A_14] : memref<2x!tpu.dma_semaphore, #tpu.memory_space<semaphore_mem>> -> memref<1x!tpu.dma_semaphore, #tpu.memory_space<semaphore_mem>>
    %dma_start3A_26 = tpu.memref_squeeze %dma_start3A_25 : memref<1x!tpu.dma_semaphore, #tpu.memory_space<semaphore_mem>> -> memref<!tpu.dma_semaphore, #tpu.memory_space<semaphore_mem>>
    tpu.enqueue_indirect_dma source(%dma_start3A_24 : memref<10240x8xf32, #tpu.memory_space<vmem_shared>>) target(%dma_start3A_18 : memref<128x8xf32, #tpu.memory_space<vmem>>) offsets(%dma_start3A_21 : memref<128xi32, #tpu.memory_space<vmem>>) semaphore(%dma_start3A_26 : memref<!tpu.dma_semaphore, #tpu.memory_space<semaphore_mem>>)
    %while3A = arith.constant 0 : i32
    %while3A_27 = arith.constant 160 : i32
    %while3A_28 = arith.subi %while3A_27, %sub3A : i32
    %while3A_29 = arith.addi %sub3A, %while3A_28 : i32
    %while3A_30 = arith.constant 1 : i32
    %while3A_31 = arith.divsi %while3A_28, %while3A_30 : i32
    %while3A_32 = arith.muli %while3A_31, %while3A_30 : i32
    %while3A_33 = arith.addi %sub3A, %while3A_32 : i32
    %while3A_34 = arith.constant 1 : i32
    scf.for %while3A_39 = %sub3A to %while3A_33 step %while3A_34  : i32 {
      %add3A = arith.constant 1 : i32
      %add3A_40 = arith.addi %while3A_39, %add3A : i32
      %lt3A = arith.constant 160 : i32
      %lt3A_41 = arith.cmpi slt, %add3A_40, %lt3A : i32
      %convert_element_type3A_42 = arith.extui %lt3A_41 : i1 to i32
      %cond3A_43 = arith.constant 0 : i32
      %cond3A_44 = arith.cmpi ne, %convert_element_type3A_42, %cond3A_43 : i32
      scf.if %cond3A_44 {
        %add3A_101 = arith.constant 1 : i32
        %add3A_102 = arith.addi %while3A_39, %add3A_101 : i32
        %add3A_103 = arith.constant 1 : i32
        %add3A_104 = arith.addi %while3A_39, %add3A_103 : i32
        %jit3A_105 = arith.constant 2 : i32
        %eq3A_106 = arith.constant 0 : i32
        %eq3A_107 = arith.cmpi eq, %jit3A_105, %eq3A_106 : i32
        %jit3A_108 = arith.constant 1 : i32
        %select_n3A_109 = arith.select %eq3A_107, %jit3A_108, %jit3A_105 : i32
        %rem3A_110 = arith.remsi %add3A_104, %select_n3A_109 : i32
        %ne3A_111 = arith.constant 0 : i32
        %ne3A_112 = arith.cmpi ne, %rem3A_110, %ne3A_111 : i32
        %lt3A_113 = arith.constant 0 : i32
        %lt3A_114 = arith.cmpi slt, %rem3A_110, %lt3A_113 : i32
        %lt3A_115 = arith.constant 0 : i32
        %lt3A_116 = arith.cmpi slt, %select_n3A_109, %lt3A_115 : i32
        %ne3A_117 = arith.xori %lt3A_114, %lt3A_116 : i1
        %and3A_118 = arith.andi %ne3A_117, %ne3A_112 : i1
        %add3A_119 = arith.addi %rem3A_110, %select_n3A_109 : i32
        %select_n3A_120 = arith.select %and3A_118, %add3A_119, %rem3A_110 : i32
        %add3A_121 = arith.constant 1 : i32
        %add3A_122 = arith.addi %while3A_39, %add3A_121 : i32
        %jit3A_123 = arith.constant 2 : i32
        %eq3A_124 = arith.constant 0 : i32
        %eq3A_125 = arith.cmpi eq, %jit3A_123, %eq3A_124 : i32
        %jit3A_126 = arith.constant 1 : i32
        %select_n3A_127 = arith.select %eq3A_125, %jit3A_126, %jit3A_123 : i32
        %rem3A_128 = arith.remsi %add3A_122, %select_n3A_127 : i32
        %ne3A_129 = arith.constant 0 : i32
        %ne3A_130 = arith.cmpi ne, %rem3A_128, %ne3A_129 : i32
        %lt3A_131 = arith.constant 0 : i32
        %lt3A_132 = arith.cmpi slt, %rem3A_128, %lt3A_131 : i32
        %lt3A_133 = arith.constant 0 : i32
        %lt3A_134 = arith.cmpi slt, %select_n3A_127, %lt3A_133 : i32
        %ne3A_135 = arith.xori %lt3A_132, %lt3A_134 : i1
        %and3A_136 = arith.andi %ne3A_135, %ne3A_130 : i1
        %add3A_137 = arith.addi %rem3A_128, %select_n3A_127 : i32
        %select_n3A_138 = arith.select %and3A_136, %add3A_137, %rem3A_128 : i32
        %dma_start3A_139 = arith.constant 0 : i32
        %dma_start3A_140 = arith.constant 0 : i32
        %dma_start3A_141 = arith.constant 0 : i32
        %dma_start3A_142 = tpu.memref_slice %arg6[%select_n3A_120, %dma_start3A_140, %dma_start3A_141] : memref<2x128x8xf32, #tpu.memory_space<vmem>> -> memref<1x128x8xf32, #tpu.memory_space<vmem>>
        %dma_start3A_143 = tpu.memref_squeeze %dma_start3A_142 : memref<1x128x8xf32, #tpu.memory_space<vmem>> -> memref<128x8xf32, #tpu.memory_space<vmem>>
        %dma_start3A_144 = arith.constant 0 : i32
        %dma_start3A_145 = tpu.memref_slice %arg5[%add3A_102, %dma_start3A_139, %dma_start3A_144] : memref<160x2x128xi32, #tpu.memory_space<vmem>> -> memref<1x1x128xi32, #tpu.memory_space<vmem>>
        %dma_start3A_146 = tpu.memref_squeeze %dma_start3A_145 : memref<1x1x128xi32, #tpu.memory_space<vmem>> -> memref<128xi32, #tpu.memory_space<vmem>>
        %dma_start3A_147 = arith.constant 0 : i32
        %dma_start3A_148 = arith.constant 0 : i32
        %dma_start3A_149 = tpu.memref_slice %arg8[%dma_start3A_147, %dma_start3A_148] : memref<10240x8xf32, #tpu.memory_space<vmem_shared>> -> memref<10240x8xf32, #tpu.memory_space<vmem_shared>>
        %dma_start3A_150 = tpu.memref_slice %arg9[%select_n3A_138] : memref<2x!tpu.dma_semaphore, #tpu.memory_space<semaphore_mem>> -> memref<1x!tpu.dma_semaphore, #tpu.memory_space<semaphore_mem>>
        %dma_start3A_151 = tpu.memref_squeeze %dma_start3A_150 : memref<1x!tpu.dma_semaphore, #tpu.memory_space<semaphore_mem>> -> memref<!tpu.dma_semaphore, #tpu.memory_space<semaphore_mem>>
        tpu.enqueue_indirect_dma source(%dma_start3A_149 : memref<10240x8xf32, #tpu.memory_space<vmem_shared>>) target(%dma_start3A_143 : memref<128x8xf32, #tpu.memory_space<vmem>>) offsets(%dma_start3A_146 : memref<128xi32, #tpu.memory_space<vmem>>) semaphore(%dma_start3A_151 : memref<!tpu.dma_semaphore, #tpu.memory_space<semaphore_mem>>)
      } else {
      }
      %jit3A = arith.constant 2 : i32
      %eq3A_45 = arith.constant 0 : i32
      %eq3A_46 = arith.cmpi eq, %jit3A, %eq3A_45 : i32
      %jit3A_47 = arith.constant 1 : i32
      %select_n3A = arith.select %eq3A_46, %jit3A_47, %jit3A : i32
      %rem3A = arith.remsi %while3A_39, %select_n3A : i32
      %ne3A = arith.constant 0 : i32
      %ne3A_48 = arith.cmpi ne, %rem3A, %ne3A : i32
      %lt3A_49 = arith.constant 0 : i32
      %lt3A_50 = arith.cmpi slt, %rem3A, %lt3A_49 : i32
      %lt3A_51 = arith.constant 0 : i32
      %lt3A_52 = arith.cmpi slt, %select_n3A, %lt3A_51 : i32
      %ne3A_53 = arith.xori %lt3A_50, %lt3A_52 : i1
      %and3A = arith.andi %ne3A_53, %ne3A_48 : i1
      %add3A_54 = arith.addi %rem3A, %select_n3A : i32
      %select_n3A_55 = arith.select %and3A, %add3A_54, %rem3A : i32
      %jit3A_56 = arith.constant 2 : i32
      %eq3A_57 = arith.constant 0 : i32
      %eq3A_58 = arith.cmpi eq, %jit3A_56, %eq3A_57 : i32
      %jit3A_59 = arith.constant 1 : i32
      %select_n3A_60 = arith.select %eq3A_58, %jit3A_59, %jit3A_56 : i32
      %rem3A_61 = arith.remsi %while3A_39, %select_n3A_60 : i32
      %ne3A_62 = arith.constant 0 : i32
      %ne3A_63 = arith.cmpi ne, %rem3A_61, %ne3A_62 : i32
      %lt3A_64 = arith.constant 0 : i32
      %lt3A_65 = arith.cmpi slt, %rem3A_61, %lt3A_64 : i32
      %lt3A_66 = arith.constant 0 : i32
      %lt3A_67 = arith.cmpi slt, %select_n3A_60, %lt3A_66 : i32
      %ne3A_68 = arith.xori %lt3A_65, %lt3A_67 : i1
      %and3A_69 = arith.andi %ne3A_68, %ne3A_63 : i1
      %add3A_70 = arith.addi %rem3A_61, %select_n3A_60 : i32
      %select_n3A_71 = arith.select %and3A_69, %add3A_70, %rem3A_61 : i32
      %dma_wait3A = arith.constant 0 : i32
      %dma_wait3A_72 = arith.constant 0 : i32
      %dma_wait3A_73 = arith.constant 0 : i32
      %dma_wait3A_74 = tpu.memref_slice %arg6[%select_n3A_55, %dma_wait3A_72, %dma_wait3A_73] : memref<2x128x8xf32, #tpu.memory_space<vmem>> -> memref<1x128x8xf32, #tpu.memory_space<vmem>>
      %dma_wait3A_75 = tpu.memref_squeeze %dma_wait3A_74 : memref<1x128x8xf32, #tpu.memory_space<vmem>> -> memref<128x8xf32, #tpu.memory_space<vmem>>
      %dma_wait3A_76 = arith.constant 0 : i32
      %dma_wait3A_77 = tpu.memref_slice %arg5[%while3A_39, %dma_wait3A, %dma_wait3A_76] : memref<160x2x128xi32, #tpu.memory_space<vmem>> -> memref<1x1x128xi32, #tpu.memory_space<vmem>>
      %dma_wait3A_78 = tpu.memref_squeeze %dma_wait3A_77 : memref<1x1x128xi32, #tpu.memory_space<vmem>> -> memref<128xi32, #tpu.memory_space<vmem>>
      %dma_wait3A_79 = arith.constant 0 : i32
      %dma_wait3A_80 = arith.constant 0 : i32
      %dma_wait3A_81 = tpu.memref_slice %arg8[%dma_wait3A_79, %dma_wait3A_80] : memref<10240x8xf32, #tpu.memory_space<vmem_shared>> -> memref<10240x8xf32, #tpu.memory_space<vmem_shared>>
      %dma_wait3A_82 = tpu.memref_slice %arg9[%select_n3A_71] : memref<2x!tpu.dma_semaphore, #tpu.memory_space<semaphore_mem>> -> memref<1x!tpu.dma_semaphore, #tpu.memory_space<semaphore_mem>>
      %dma_wait3A_83 = tpu.memref_squeeze %dma_wait3A_82 : memref<1x!tpu.dma_semaphore, #tpu.memory_space<semaphore_mem>> -> memref<!tpu.dma_semaphore, #tpu.memory_space<semaphore_mem>>
      tpu.wait_indirect_dma semaphore(%dma_wait3A_83 : memref<!tpu.dma_semaphore, #tpu.memory_space<semaphore_mem>>) src(%dma_wait3A_81 : memref<10240x8xf32, #tpu.memory_space<vmem_shared>>) dst(%dma_wait3A_75 : memref<128x8xf32, #tpu.memory_space<vmem>>)
      %jit3A_84 = arith.constant 2 : i32
      %eq3A_85 = arith.constant 0 : i32
      %eq3A_86 = arith.cmpi eq, %jit3A_84, %eq3A_85 : i32
      %jit3A_87 = arith.constant 1 : i32
      %select_n3A_88 = arith.select %eq3A_86, %jit3A_87, %jit3A_84 : i32
      %rem3A_89 = arith.remsi %while3A_39, %select_n3A_88 : i32
      %ne3A_90 = arith.constant 0 : i32
      %ne3A_91 = arith.cmpi ne, %rem3A_89, %ne3A_90 : i32
      %lt3A_92 = arith.constant 0 : i32
      %lt3A_93 = arith.cmpi slt, %rem3A_89, %lt3A_92 : i32
      %lt3A_94 = arith.constant 0 : i32
      %lt3A_95 = arith.cmpi slt, %select_n3A_88, %lt3A_94 : i32
      %ne3A_96 = arith.xori %lt3A_93, %lt3A_95 : i1
      %and3A_97 = arith.andi %ne3A_96, %ne3A_91 : i1
      %add3A_98 = arith.addi %rem3A_89, %select_n3A_88 : i32
      %select_n3A_99 = arith.select %and3A_97, %add3A_98, %rem3A_89 : i32
      %run_scoped3A_100 = arith.constant 1 : i32
      "tpu.region"() ({
        %run_scoped3A_101 = tpu.sem_alloc : memref<!tpu.dma_semaphore, #tpu.memory_space<semaphore_mem>>
        %dma_start3A_102 = arith.constant 0 : i32
        %dma_start3A_103 = arith.constant 0 : i32
        %dma_start3A_104 = tpu.memref_slice %arg6[%select_n3A_99, %dma_start3A_102, %dma_start3A_103] : memref<2x128x8xf32, #tpu.memory_space<vmem>> -> memref<1x128x8xf32, #tpu.memory_space<vmem>>
        %dma_start3A_105 = tpu.memref_squeeze %dma_start3A_104 : memref<1x128x8xf32, #tpu.memory_space<vmem>> -> memref<128x8xf32, #tpu.memory_space<vmem>>
        %dma_start3A_106 = arith.constant 0 : i32
        %dma_start3A_107 = tpu.memref_slice %arg5[%while3A_39, %run_scoped3A_100, %dma_start3A_106] : memref<160x2x128xi32, #tpu.memory_space<vmem>> -> memref<1x1x128xi32, #tpu.memory_space<vmem>>
        %dma_start3A_108 = tpu.memref_squeeze %dma_start3A_107 : memref<1x1x128xi32, #tpu.memory_space<vmem>> -> memref<128xi32, #tpu.memory_space<vmem>>
        %dma_start3A_109 = arith.constant 0 : i32
        %dma_start3A_110 = arith.constant 0 : i32
        %dma_start3A_111 = tpu.memref_slice %arg7[%dma_start3A_109, %dma_start3A_110] : memref<10240x8xf32, #tpu.memory_space<vmem_shared>> -> memref<10240x8xf32, #tpu.memory_space<vmem_shared>>
        tpu.enqueue_indirect_dma source(%dma_start3A_105 : memref<128x8xf32, #tpu.memory_space<vmem>>) target(%dma_start3A_111 : memref<10240x8xf32, #tpu.memory_space<vmem_shared>>) offsets(%dma_start3A_108 : memref<128xi32, #tpu.memory_space<vmem>>) semaphore(%run_scoped3A_101 : memref<!tpu.dma_semaphore, #tpu.memory_space<semaphore_mem>>) {add = true}
        %dma_wait3A_112 = arith.constant 0 : i32
        %dma_wait3A_113 = arith.constant 0 : i32
        %dma_wait3A_114 = tpu.memref_slice %arg6[%select_n3A_99, %dma_wait3A_112, %dma_wait3A_113] : memref<2x128x8xf32, #tpu.memory_space<vmem>> -> memref<1x128x8xf32, #tpu.memory_space<vmem>>
        %dma_wait3A_115 = tpu.memref_squeeze %dma_wait3A_114 : memref<1x128x8xf32, #tpu.memory_space<vmem>> -> memref<128x8xf32, #tpu.memory_space<vmem>>
        %dma_wait3A_116 = arith.constant 0 : i32
        %dma_wait3A_117 = tpu.memref_slice %arg5[%while3A_39, %run_scoped3A_100, %dma_wait3A_116] : memref<160x2x128xi32, #tpu.memory_space<vmem>> -> memref<1x1x128xi32, #tpu.memory_space<vmem>>
        %dma_wait3A_118 = tpu.memref_squeeze %dma_wait3A_117 : memref<1x1x128xi32, #tpu.memory_space<vmem>> -> memref<128xi32, #tpu.memory_space<vmem>>
        %dma_wait3A_119 = arith.constant 0 : i32
        %dma_wait3A_120 = arith.constant 0 : i32
        %dma_wait3A_121 = tpu.memref_slice %arg7[%dma_wait3A_119, %dma_wait3A_120] : memref<10240x8xf32, #tpu.memory_space<vmem_shared>> -> memref<10240x8xf32, #tpu.memory_space<vmem_shared>>
        tpu.wait_indirect_dma semaphore(%run_scoped3A_101 : memref<!tpu.dma_semaphore, #tpu.memory_space<semaphore_mem>>) src(%dma_wait3A_115 : memref<128x8xf32, #tpu.memory_space<vmem>>) dst(%dma_wait3A_121 : memref<10240x8xf32, #tpu.memory_space<vmem_shared>>)
        tpu.yield
      }) : () -> ()
    }
    %while3A_35 = arith.constant 1 : i32
    scf.for %while3A_39 = %while3A_33 to %while3A_29 step %while3A_35  : i32 {
      %add3A = arith.constant 1 : i32
      %add3A_40 = arith.addi %while3A_39, %add3A : i32
      %lt3A = arith.constant 160 : i32
      %lt3A_41 = arith.cmpi slt, %add3A_40, %lt3A : i32
      %convert_element_type3A_42 = arith.extui %lt3A_41 : i1 to i32
      %cond3A_43 = arith.constant 0 : i32
      %cond3A_44 = arith.cmpi ne, %convert_element_type3A_42, %cond3A_43 : i32
      scf.if %cond3A_44 {
        %add3A_101 = arith.constant 1 : i32
        %add3A_102 = arith.addi %while3A_39, %add3A_101 : i32
        %add3A_103 = arith.constant 1 : i32
        %add3A_104 = arith.addi %while3A_39, %add3A_103 : i32
        %jit3A_105 = arith.constant 2 : i32
        %eq3A_106 = arith.constant 0 : i32
        %eq3A_107 = arith.cmpi eq, %jit3A_105, %eq3A_106 : i32
        %jit3A_108 = arith.constant 1 : i32
        %select_n3A_109 = arith.select %eq3A_107, %jit3A_108, %jit3A_105 : i32
        %rem3A_110 = arith.remsi %add3A_104, %select_n3A_109 : i32
        %ne3A_111 = arith.constant 0 : i32
        %ne3A_112 = arith.cmpi ne, %rem3A_110, %ne3A_111 : i32
        %lt3A_113 = arith.constant 0 : i32
        %lt3A_114 = arith.cmpi slt, %rem3A_110, %lt3A_113 : i32
        %lt3A_115 = arith.constant 0 : i32
        %lt3A_116 = arith.cmpi slt, %select_n3A_109, %lt3A_115 : i32
        %ne3A_117 = arith.xori %lt3A_114, %lt3A_116 : i1
        %and3A_118 = arith.andi %ne3A_117, %ne3A_112 : i1
        %add3A_119 = arith.addi %rem3A_110, %select_n3A_109 : i32
        %select_n3A_120 = arith.select %and3A_118, %add3A_119, %rem3A_110 : i32
        %add3A_121 = arith.constant 1 : i32
        %add3A_122 = arith.addi %while3A_39, %add3A_121 : i32
        %jit3A_123 = arith.constant 2 : i32
        %eq3A_124 = arith.constant 0 : i32
        %eq3A_125 = arith.cmpi eq, %jit3A_123, %eq3A_124 : i32
        %jit3A_126 = arith.constant 1 : i32
        %select_n3A_127 = arith.select %eq3A_125, %jit3A_126, %jit3A_123 : i32
        %rem3A_128 = arith.remsi %add3A_122, %select_n3A_127 : i32
        %ne3A_129 = arith.constant 0 : i32
        %ne3A_130 = arith.cmpi ne, %rem3A_128, %ne3A_129 : i32
        %lt3A_131 = arith.constant 0 : i32
        %lt3A_132 = arith.cmpi slt, %rem3A_128, %lt3A_131 : i32
        %lt3A_133 = arith.constant 0 : i32
        %lt3A_134 = arith.cmpi slt, %select_n3A_127, %lt3A_133 : i32
        %ne3A_135 = arith.xori %lt3A_132, %lt3A_134 : i1
        %and3A_136 = arith.andi %ne3A_135, %ne3A_130 : i1
        %add3A_137 = arith.addi %rem3A_128, %select_n3A_127 : i32
        %select_n3A_138 = arith.select %and3A_136, %add3A_137, %rem3A_128 : i32
        %dma_start3A_139 = arith.constant 0 : i32
        %dma_start3A_140 = arith.constant 0 : i32
        %dma_start3A_141 = arith.constant 0 : i32
        %dma_start3A_142 = tpu.memref_slice %arg6[%select_n3A_120, %dma_start3A_140, %dma_start3A_141] : memref<2x128x8xf32, #tpu.memory_space<vmem>> -> memref<1x128x8xf32, #tpu.memory_space<vmem>>
        %dma_start3A_143 = tpu.memref_squeeze %dma_start3A_142 : memref<1x128x8xf32, #tpu.memory_space<vmem>> -> memref<128x8xf32, #tpu.memory_space<vmem>>
        %dma_start3A_144 = arith.constant 0 : i32
        %dma_start3A_145 = tpu.memref_slice %arg5[%add3A_102, %dma_start3A_139, %dma_start3A_144] : memref<160x2x128xi32, #tpu.memory_space<vmem>> -> memref<1x1x128xi32, #tpu.memory_space<vmem>>
        %dma_start3A_146 = tpu.memref_squeeze %dma_start3A_145 : memref<1x1x128xi32, #tpu.memory_space<vmem>> -> memref<128xi32, #tpu.memory_space<vmem>>
        %dma_start3A_147 = arith.constant 0 : i32
        %dma_start3A_148 = arith.constant 0 : i32
        %dma_start3A_149 = tpu.memref_slice %arg8[%dma_start3A_147, %dma_start3A_148] : memref<10240x8xf32, #tpu.memory_space<vmem_shared>> -> memref<10240x8xf32, #tpu.memory_space<vmem_shared>>
        %dma_start3A_150 = tpu.memref_slice %arg9[%select_n3A_138] : memref<2x!tpu.dma_semaphore, #tpu.memory_space<semaphore_mem>> -> memref<1x!tpu.dma_semaphore, #tpu.memory_space<semaphore_mem>>
        %dma_start3A_151 = tpu.memref_squeeze %dma_start3A_150 : memref<1x!tpu.dma_semaphore, #tpu.memory_space<semaphore_mem>> -> memref<!tpu.dma_semaphore, #tpu.memory_space<semaphore_mem>>
        tpu.enqueue_indirect_dma source(%dma_start3A_149 : memref<10240x8xf32, #tpu.memory_space<vmem_shared>>) target(%dma_start3A_143 : memref<128x8xf32, #tpu.memory_space<vmem>>) offsets(%dma_start3A_146 : memref<128xi32, #tpu.memory_space<vmem>>) semaphore(%dma_start3A_151 : memref<!tpu.dma_semaphore, #tpu.memory_space<semaphore_mem>>)
      } else {
      }
      %jit3A = arith.constant 2 : i32
      %eq3A_45 = arith.constant 0 : i32
      %eq3A_46 = arith.cmpi eq, %jit3A, %eq3A_45 : i32
      %jit3A_47 = arith.constant 1 : i32
      %select_n3A = arith.select %eq3A_46, %jit3A_47, %jit3A : i32
      %rem3A = arith.remsi %while3A_39, %select_n3A : i32
      %ne3A = arith.constant 0 : i32
      %ne3A_48 = arith.cmpi ne, %rem3A, %ne3A : i32
      %lt3A_49 = arith.constant 0 : i32
      %lt3A_50 = arith.cmpi slt, %rem3A, %lt3A_49 : i32
      %lt3A_51 = arith.constant 0 : i32
      %lt3A_52 = arith.cmpi slt, %select_n3A, %lt3A_51 : i32
      %ne3A_53 = arith.xori %lt3A_50, %lt3A_52 : i1
      %and3A = arith.andi %ne3A_53, %ne3A_48 : i1
      %add3A_54 = arith.addi %rem3A, %select_n3A : i32
      %select_n3A_55 = arith.select %and3A, %add3A_54, %rem3A : i32
      %jit3A_56 = arith.constant 2 : i32
      %eq3A_57 = arith.constant 0 : i32
      %eq3A_58 = arith.cmpi eq, %jit3A_56, %eq3A_57 : i32
      %jit3A_59 = arith.constant 1 : i32
      %select_n3A_60 = arith.select %eq3A_58, %jit3A_59, %jit3A_56 : i32
      %rem3A_61 = arith.remsi %while3A_39, %select_n3A_60 : i32
      %ne3A_62 = arith.constant 0 : i32
      %ne3A_63 = arith.cmpi ne, %rem3A_61, %ne3A_62 : i32
      %lt3A_64 = arith.constant 0 : i32
      %lt3A_65 = arith.cmpi slt, %rem3A_61, %lt3A_64 : i32
      %lt3A_66 = arith.constant 0 : i32
      %lt3A_67 = arith.cmpi slt, %select_n3A_60, %lt3A_66 : i32
      %ne3A_68 = arith.xori %lt3A_65, %lt3A_67 : i1
      %and3A_69 = arith.andi %ne3A_68, %ne3A_63 : i1
      %add3A_70 = arith.addi %rem3A_61, %select_n3A_60 : i32
      %select_n3A_71 = arith.select %and3A_69, %add3A_70, %rem3A_61 : i32
      %dma_wait3A = arith.constant 0 : i32
      %dma_wait3A_72 = arith.constant 0 : i32
      %dma_wait3A_73 = arith.constant 0 : i32
      %dma_wait3A_74 = tpu.memref_slice %arg6[%select_n3A_55, %dma_wait3A_72, %dma_wait3A_73] : memref<2x128x8xf32, #tpu.memory_space<vmem>> -> memref<1x128x8xf32, #tpu.memory_space<vmem>>
      %dma_wait3A_75 = tpu.memref_squeeze %dma_wait3A_74 : memref<1x128x8xf32, #tpu.memory_space<vmem>> -> memref<128x8xf32, #tpu.memory_space<vmem>>
      %dma_wait3A_76 = arith.constant 0 : i32
      %dma_wait3A_77 = tpu.memref_slice %arg5[%while3A_39, %dma_wait3A, %dma_wait3A_76] : memref<160x2x128xi32, #tpu.memory_space<vmem>> -> memref<1x1x128xi32, #tpu.memory_space<vmem>>
      %dma_wait3A_78 = tpu.memref_squeeze %dma_wait3A_77 : memref<1x1x128xi32, #tpu.memory_space<vmem>> -> memref<128xi32, #tpu.memory_space<vmem>>
      %dma_wait3A_79 = arith.constant 0 : i32
      %dma_wait3A_80 = arith.constant 0 : i32
      %dma_wait3A_81 = tpu.memref_slice %arg8[%dma_wait3A_79, %dma_wait3A_80] : memref<10240x8xf32, #tpu.memory_space<vmem_shared>> -> memref<10240x8xf32, #tpu.memory_space<vmem_shared>>
      %dma_wait3A_82 = tpu.memref_slice %arg9[%select_n3A_71] : memref<2x!tpu.dma_semaphore, #tpu.memory_space<semaphore_mem>> -> memref<1x!tpu.dma_semaphore, #tpu.memory_space<semaphore_mem>>
      %dma_wait3A_83 = tpu.memref_squeeze %dma_wait3A_82 : memref<1x!tpu.dma_semaphore, #tpu.memory_space<semaphore_mem>> -> memref<!tpu.dma_semaphore, #tpu.memory_space<semaphore_mem>>
      tpu.wait_indirect_dma semaphore(%dma_wait3A_83 : memref<!tpu.dma_semaphore, #tpu.memory_space<semaphore_mem>>) src(%dma_wait3A_81 : memref<10240x8xf32, #tpu.memory_space<vmem_shared>>) dst(%dma_wait3A_75 : memref<128x8xf32, #tpu.memory_space<vmem>>)
      %jit3A_84 = arith.constant 2 : i32
      %eq3A_85 = arith.constant 0 : i32
      %eq3A_86 = arith.cmpi eq, %jit3A_84, %eq3A_85 : i32
      %jit3A_87 = arith.constant 1 : i32
      %select_n3A_88 = arith.select %eq3A_86, %jit3A_87, %jit3A_84 : i32
      %rem3A_89 = arith.remsi %while3A_39, %select_n3A_88 : i32
      %ne3A_90 = arith.constant 0 : i32
      %ne3A_91 = arith.cmpi ne, %rem3A_89, %ne3A_90 : i32
      %lt3A_92 = arith.constant 0 : i32
      %lt3A_93 = arith.cmpi slt, %rem3A_89, %lt3A_92 : i32
      %lt3A_94 = arith.constant 0 : i32
      %lt3A_95 = arith.cmpi slt, %select_n3A_88, %lt3A_94 : i32
      %ne3A_96 = arith.xori %lt3A_93, %lt3A_95 : i1
      %and3A_97 = arith.andi %ne3A_96, %ne3A_91 : i1
      %add3A_98 = arith.addi %rem3A_89, %select_n3A_88 : i32
      %select_n3A_99 = arith.select %and3A_97, %add3A_98, %rem3A_89 : i32
      %run_scoped3A_100 = arith.constant 1 : i32
      "tpu.region"() ({
        %run_scoped3A_101 = tpu.sem_alloc : memref<!tpu.dma_semaphore, #tpu.memory_space<semaphore_mem>>
        %dma_start3A_102 = arith.constant 0 : i32
        %dma_start3A_103 = arith.constant 0 : i32
        %dma_start3A_104 = tpu.memref_slice %arg6[%select_n3A_99, %dma_start3A_102, %dma_start3A_103] : memref<2x128x8xf32, #tpu.memory_space<vmem>> -> memref<1x128x8xf32, #tpu.memory_space<vmem>>
        %dma_start3A_105 = tpu.memref_squeeze %dma_start3A_104 : memref<1x128x8xf32, #tpu.memory_space<vmem>> -> memref<128x8xf32, #tpu.memory_space<vmem>>
        %dma_start3A_106 = arith.constant 0 : i32
        %dma_start3A_107 = tpu.memref_slice %arg5[%while3A_39, %run_scoped3A_100, %dma_start3A_106] : memref<160x2x128xi32, #tpu.memory_space<vmem>> -> memref<1x1x128xi32, #tpu.memory_space<vmem>>
        %dma_start3A_108 = tpu.memref_squeeze %dma_start3A_107 : memref<1x1x128xi32, #tpu.memory_space<vmem>> -> memref<128xi32, #tpu.memory_space<vmem>>
        %dma_start3A_109 = arith.constant 0 : i32
        %dma_start3A_110 = arith.constant 0 : i32
        %dma_start3A_111 = tpu.memref_slice %arg7[%dma_start3A_109, %dma_start3A_110] : memref<10240x8xf32, #tpu.memory_space<vmem_shared>> -> memref<10240x8xf32, #tpu.memory_space<vmem_shared>>
        tpu.enqueue_indirect_dma source(%dma_start3A_105 : memref<128x8xf32, #tpu.memory_space<vmem>>) target(%dma_start3A_111 : memref<10240x8xf32, #tpu.memory_space<vmem_shared>>) offsets(%dma_start3A_108 : memref<128xi32, #tpu.memory_space<vmem>>) semaphore(%run_scoped3A_101 : memref<!tpu.dma_semaphore, #tpu.memory_space<semaphore_mem>>) {add = true}
        %dma_wait3A_112 = arith.constant 0 : i32
        %dma_wait3A_113 = arith.constant 0 : i32
        %dma_wait3A_114 = tpu.memref_slice %arg6[%select_n3A_99, %dma_wait3A_112, %dma_wait3A_113] : memref<2x128x8xf32, #tpu.memory_space<vmem>> -> memref<1x128x8xf32, #tpu.memory_space<vmem>>
        %dma_wait3A_115 = tpu.memref_squeeze %dma_wait3A_114 : memref<1x128x8xf32, #tpu.memory_space<vmem>> -> memref<128x8xf32, #tpu.memory_space<vmem>>
        %dma_wait3A_116 = arith.constant 0 : i32
        %dma_wait3A_117 = tpu.memref_slice %arg5[%while3A_39, %run_scoped3A_100, %dma_wait3A_116] : memref<160x2x128xi32, #tpu.memory_space<vmem>> -> memref<1x1x128xi32, #tpu.memory_space<vmem>>
        %dma_wait3A_118 = tpu.memref_squeeze %dma_wait3A_117 : memref<1x1x128xi32, #tpu.memory_space<vmem>> -> memref<128xi32, #tpu.memory_space<vmem>>
        %dma_wait3A_119 = arith.constant 0 : i32
        %dma_wait3A_120 = arith.constant 0 : i32
        %dma_wait3A_121 = tpu.memref_slice %arg7[%dma_wait3A_119, %dma_wait3A_120] : memref<10240x8xf32, #tpu.memory_space<vmem_shared>> -> memref<10240x8xf32, #tpu.memory_space<vmem_shared>>
        tpu.wait_indirect_dma semaphore(%run_scoped3A_101 : memref<!tpu.dma_semaphore, #tpu.memory_space<semaphore_mem>>) src(%dma_wait3A_115 : memref<128x8xf32, #tpu.memory_space<vmem>>) dst(%dma_wait3A_121 : memref<10240x8xf32, #tpu.memory_space<vmem_shared>>)
        tpu.yield
      }) : () -> ()
    }
    %barrier3A_36 = arith.constant 0 : index
    tpu.barrier barrier_id(%barrier3A_36)
    %eq3A = arith.constant 0 : i32
    %eq3A_37 = arith.cmpi eq, %arg0, %eq3A : i32
    %convert_element_type3A = arith.extui %eq3A_37 : i1 to i32
    %cond3A = arith.constant 0 : i32
    %cond3A_38 = arith.cmpi ne, %convert_element_type3A, %cond3A : i32
    scf.if %cond3A_38 {
      %mul3A_39 = arith.constant 640 : i32
      %mul3A_40 = arith.muli %arg1, %mul3A_39 : i32
      %mul3A_41 = arith.constant 640 : i32
      %mul3A_42 = arith.muli %arg1, %mul3A_41 : i32
      "tpu.region"() ({
        %run_scoped3A_43 = tpu.sem_alloc : memref<!tpu.dma_semaphore, #tpu.memory_space<semaphore_mem>>
        %dma_start3A_44 = arith.constant 0 : i32
        %dma_start3A_45 = tpu.memref_slice %arg4[%mul3A_42, %dma_start3A_44] : memref<10240x8xf32, #tpu.memory_space<hbm>> -> memref<640x8xf32, #tpu.memory_space<hbm>>
        %dma_start3A_46 = arith.constant 0 : i32
        %dma_start3A_47 = tpu.memref_slice %arg7[%mul3A_40, %dma_start3A_46] : memref<10240x8xf32, #tpu.memory_space<vmem_shared>> -> memref<640x8xf32, #tpu.memory_space<vmem_shared>>
        tpu.enqueue_dma source(%dma_start3A_47 : memref<640x8xf32, #tpu.memory_space<vmem_shared>>) target(%dma_start3A_45 : memref<640x8xf32, #tpu.memory_space<hbm>>) target_semaphore(%run_scoped3A_43 : memref<!tpu.dma_semaphore, #tpu.memory_space<semaphore_mem>>)
        %dma_wait3A = arith.constant 0 : i32
        %dma_wait3A_48 = tpu.memref_slice %arg4[%mul3A_42, %dma_wait3A] : memref<10240x8xf32, #tpu.memory_space<hbm>> -> memref<640x8xf32, #tpu.memory_space<hbm>>
        %dma_wait3A_49 = arith.constant 0 : i32
        %dma_wait3A_50 = tpu.memref_slice %arg7[%mul3A_40, %dma_wait3A_49] : memref<10240x8xf32, #tpu.memory_space<vmem_shared>> -> memref<640x8xf32, #tpu.memory_space<vmem_shared>>
        tpu.wait_dma2 semaphore(%run_scoped3A_43 : memref<!tpu.dma_semaphore, #tpu.memory_space<semaphore_mem>>) src(%dma_wait3A_50 : memref<640x8xf32, #tpu.memory_space<vmem_shared>>) dst(%dma_wait3A_48 : memref<640x8xf32, #tpu.memory_space<hbm>>)
        tpu.yield
      }) : () -> ()
    } else {
    }
    return
  }
}

#map = affine_map<(d0, d1) -> (0, 0, 0)>
module attributes {stable_mosaic.version = 14 : i64} {
  func.func @seg(%arg0: i32, %arg1: i32, %arg2: memref<2x10240x32xf32, #tpu.memory_space<hbm>>, %arg3: memref<2x10240x32xf32, #tpu.memory_space<hbm>>, %arg4: memref<2500x2x128xi32, #tpu.memory_space<hbm>>, %arg5: memref<2x10240x32xf32, #tpu.memory_space<hbm>>, %arg6: memref<160x2x128xi32, #tpu.memory_space<vmem>>, %arg7: memref<2x128x32xf32, #tpu.memory_space<vmem>>, %arg8: memref<10240x32xf32, #tpu.memory_space<vmem_shared>>, %arg9: memref<10240x32xf32, #tpu.memory_space<vmem_shared>>, %arg10: memref<2x!tpu.dma_semaphore, #tpu.memory_space<semaphore_mem>>) attributes {dimension_semantics = [#tpu.dimension_semantics<core_parallel>, #tpu.dimension_semantics<subcore_parallel>], iteration_bounds = array<i64: 2, 16>, scalar_prefetch = 0 : i64, scratch_operands = 5 : i64, tpu.core_type = #tpu.core_type<sc_vector_subcore>, window_params = [{transform_indices = #map}, {transform_indices = #map}, {transform_indices = #map}, {transform_indices = #map}]} {
    %mul3A = arith.constant 160 : i32
    %mul3A_0 = arith.muli %arg1, %mul3A : i32
    %min3A = arith.constant 2340 : i32
    %min3A_1 = arith.minsi %mul3A_0, %min3A : i32
    %mul3A_2 = arith.constant 160 : i32
    %mul3A_3 = arith.muli %arg1, %mul3A_2 : i32
    %sub3A = arith.subi %mul3A_3, %min3A_1 : i32
    %mul3A_4 = arith.constant 640 : i32
    %mul3A_5 = arith.muli %arg1, %mul3A_4 : i32
    %mul3A_6 = arith.constant 640 : i32
    %mul3A_7 = arith.muli %arg1, %mul3A_6 : i32
    "tpu.region"() ({
      %run_scoped3A = tpu.sem_alloc : memref<!tpu.dma_semaphore, #tpu.memory_space<semaphore_mem>>
      %dma_start3A_40 = arith.constant 0 : i32
      %dma_start3A_41 = tpu.memref_slice %arg8[%mul3A_7, %dma_start3A_40] : memref<10240x32xf32, #tpu.memory_space<vmem_shared>> -> memref<640x32xf32, #tpu.memory_space<vmem_shared>>
      %dma_start3A_42 = arith.constant 0 : i32
      %dma_start3A_43 = tpu.memref_slice %arg3[%arg0, %mul3A_5, %dma_start3A_42] : memref<2x10240x32xf32, #tpu.memory_space<hbm>> -> memref<1x640x32xf32, #tpu.memory_space<hbm>>
      %dma_start3A_44 = tpu.memref_squeeze %dma_start3A_43 : memref<1x640x32xf32, #tpu.memory_space<hbm>> -> memref<640x32xf32, #tpu.memory_space<hbm>>
      tpu.enqueue_dma source(%dma_start3A_44 : memref<640x32xf32, #tpu.memory_space<hbm>>) target(%dma_start3A_41 : memref<640x32xf32, #tpu.memory_space<vmem_shared>>) target_semaphore(%run_scoped3A : memref<!tpu.dma_semaphore, #tpu.memory_space<semaphore_mem>>)
      %dma_wait3A = arith.constant 0 : i32
      %dma_wait3A_45 = tpu.memref_slice %arg8[%mul3A_7, %dma_wait3A] : memref<10240x32xf32, #tpu.memory_space<vmem_shared>> -> memref<640x32xf32, #tpu.memory_space<vmem_shared>>
      %dma_wait3A_46 = arith.constant 0 : i32
      %dma_wait3A_47 = tpu.memref_slice %arg3[%arg0, %mul3A_5, %dma_wait3A_46] : memref<2x10240x32xf32, #tpu.memory_space<hbm>> -> memref<1x640x32xf32, #tpu.memory_space<hbm>>
      %dma_wait3A_48 = tpu.memref_squeeze %dma_wait3A_47 : memref<1x640x32xf32, #tpu.memory_space<hbm>> -> memref<640x32xf32, #tpu.memory_space<hbm>>
      tpu.wait_dma2 semaphore(%run_scoped3A : memref<!tpu.dma_semaphore, #tpu.memory_space<semaphore_mem>>) src(%dma_wait3A_48 : memref<640x32xf32, #tpu.memory_space<hbm>>) dst(%dma_wait3A_45 : memref<640x32xf32, #tpu.memory_space<vmem_shared>>)
      tpu.yield
    }) : () -> ()
    %mul3A_8 = arith.constant 640 : i32
    %mul3A_9 = arith.muli %arg1, %mul3A_8 : i32
    %mul3A_10 = arith.constant 640 : i32
    %mul3A_11 = arith.muli %arg1, %mul3A_10 : i32
    "tpu.region"() ({
      %run_scoped3A = tpu.sem_alloc : memref<!tpu.dma_semaphore, #tpu.memory_space<semaphore_mem>>
      %dma_start3A_40 = arith.constant 0 : i32
      %dma_start3A_41 = tpu.memref_slice %arg9[%mul3A_11, %dma_start3A_40] : memref<10240x32xf32, #tpu.memory_space<vmem_shared>> -> memref<640x32xf32, #tpu.memory_space<vmem_shared>>
      %dma_start3A_42 = arith.constant 0 : i32
      %dma_start3A_43 = tpu.memref_slice %arg2[%arg0, %mul3A_9, %dma_start3A_42] : memref<2x10240x32xf32, #tpu.memory_space<hbm>> -> memref<1x640x32xf32, #tpu.memory_space<hbm>>
      %dma_start3A_44 = tpu.memref_squeeze %dma_start3A_43 : memref<1x640x32xf32, #tpu.memory_space<hbm>> -> memref<640x32xf32, #tpu.memory_space<hbm>>
      tpu.enqueue_dma source(%dma_start3A_44 : memref<640x32xf32, #tpu.memory_space<hbm>>) target(%dma_start3A_41 : memref<640x32xf32, #tpu.memory_space<vmem_shared>>) target_semaphore(%run_scoped3A : memref<!tpu.dma_semaphore, #tpu.memory_space<semaphore_mem>>)
      %dma_wait3A = arith.constant 0 : i32
      %dma_wait3A_45 = tpu.memref_slice %arg9[%mul3A_11, %dma_wait3A] : memref<10240x32xf32, #tpu.memory_space<vmem_shared>> -> memref<640x32xf32, #tpu.memory_space<vmem_shared>>
      %dma_wait3A_46 = arith.constant 0 : i32
      %dma_wait3A_47 = tpu.memref_slice %arg2[%arg0, %mul3A_9, %dma_wait3A_46] : memref<2x10240x32xf32, #tpu.memory_space<hbm>> -> memref<1x640x32xf32, #tpu.memory_space<hbm>>
      %dma_wait3A_48 = tpu.memref_squeeze %dma_wait3A_47 : memref<1x640x32xf32, #tpu.memory_space<hbm>> -> memref<640x32xf32, #tpu.memory_space<hbm>>
      tpu.wait_dma2 semaphore(%run_scoped3A : memref<!tpu.dma_semaphore, #tpu.memory_space<semaphore_mem>>) src(%dma_wait3A_48 : memref<640x32xf32, #tpu.memory_space<hbm>>) dst(%dma_wait3A_45 : memref<640x32xf32, #tpu.memory_space<vmem_shared>>)
      tpu.yield
    }) : () -> ()
    "tpu.region"() ({
      %run_scoped3A = tpu.sem_alloc : memref<!tpu.dma_semaphore, #tpu.memory_space<semaphore_mem>>
      %dma_start3A_40 = arith.constant 0 : i32
      %dma_start3A_41 = arith.constant 0 : i32
      %dma_start3A_42 = tpu.memref_slice %arg4[%min3A_1, %dma_start3A_40, %dma_start3A_41] : memref<2500x2x128xi32, #tpu.memory_space<hbm>> -> memref<160x2x128xi32, #tpu.memory_space<hbm>>
      %dma_start3A_43 = arith.constant 0 : i32
      %dma_start3A_44 = arith.constant 0 : i32
      %dma_start3A_45 = tpu.memref_slice %arg4[%min3A_1, %dma_start3A_43, %dma_start3A_44] : memref<2500x2x128xi32, #tpu.memory_space<hbm>> -> memref<160x2x128xi32, #tpu.memory_space<hbm>>
      tpu.enqueue_dma source(%dma_start3A_45 : memref<160x2x128xi32, #tpu.memory_space<hbm>>) target(%arg6 : memref<160x2x128xi32, #tpu.memory_space<vmem>>) target_semaphore(%run_scoped3A : memref<!tpu.dma_semaphore, #tpu.memory_space<semaphore_mem>>)
      %dma_wait3A = arith.constant 0 : i32
      %dma_wait3A_46 = arith.constant 0 : i32
      %dma_wait3A_47 = tpu.memref_slice %arg4[%min3A_1, %dma_wait3A, %dma_wait3A_46] : memref<2500x2x128xi32, #tpu.memory_space<hbm>> -> memref<160x2x128xi32, #tpu.memory_space<hbm>>
      %dma_wait3A_48 = arith.constant 0 : i32
      %dma_wait3A_49 = arith.constant 0 : i32
      %dma_wait3A_50 = tpu.memref_slice %arg4[%min3A_1, %dma_wait3A_48, %dma_wait3A_49] : memref<2500x2x128xi32, #tpu.memory_space<hbm>> -> memref<160x2x128xi32, #tpu.memory_space<hbm>>
      tpu.wait_dma2 semaphore(%run_scoped3A : memref<!tpu.dma_semaphore, #tpu.memory_space<semaphore_mem>>) src(%dma_wait3A_50 : memref<160x2x128xi32, #tpu.memory_space<hbm>>) dst(%arg6 : memref<160x2x128xi32, #tpu.memory_space<vmem>>)
      tpu.yield
    }) : () -> ()
    %barrier3A = arith.constant 0 : index
    tpu.barrier barrier_id(%barrier3A)
    %dma_start3A = arith.constant 0 : i32
    %dma_start3A_12 = arith.constant 0 : i32
    %dma_start3A_13 = arith.constant 0 : i32
    %dma_start3A_14 = arith.constant 0 : i32
    %dma_start3A_15 = arith.constant 0 : i32
    %dma_start3A_16 = tpu.memref_slice %arg7[%dma_start3A_12, %dma_start3A_14, %dma_start3A_15] : memref<2x128x32xf32, #tpu.memory_space<vmem>> -> memref<1x128x32xf32, #tpu.memory_space<vmem>>
    %dma_start3A_17 = tpu.memref_squeeze %dma_start3A_16 : memref<1x128x32xf32, #tpu.memory_space<vmem>> -> memref<128x32xf32, #tpu.memory_space<vmem>>
    %dma_start3A_18 = arith.constant 0 : i32
    %dma_start3A_19 = tpu.memref_slice %arg6[%sub3A, %dma_start3A, %dma_start3A_18] : memref<160x2x128xi32, #tpu.memory_space<vmem>> -> memref<1x1x128xi32, #tpu.memory_space<vmem>>
    %dma_start3A_20 = tpu.memref_squeeze %dma_start3A_19 : memref<1x1x128xi32, #tpu.memory_space<vmem>> -> memref<128xi32, #tpu.memory_space<vmem>>
    %dma_start3A_21 = arith.constant 0 : i32
    %dma_start3A_22 = arith.constant 0 : i32
    %dma_start3A_23 = tpu.memref_slice %arg9[%dma_start3A_21, %dma_start3A_22] : memref<10240x32xf32, #tpu.memory_space<vmem_shared>> -> memref<10240x32xf32, #tpu.memory_space<vmem_shared>>
    %dma_start3A_24 = tpu.memref_slice %arg10[%dma_start3A_13] : memref<2x!tpu.dma_semaphore, #tpu.memory_space<semaphore_mem>> -> memref<1x!tpu.dma_semaphore, #tpu.memory_space<semaphore_mem>>
    %dma_start3A_25 = tpu.memref_squeeze %dma_start3A_24 : memref<1x!tpu.dma_semaphore, #tpu.memory_space<semaphore_mem>> -> memref<!tpu.dma_semaphore, #tpu.memory_space<semaphore_mem>>
    tpu.enqueue_indirect_dma source(%dma_start3A_23 : memref<10240x32xf32, #tpu.memory_space<vmem_shared>>) target(%dma_start3A_17 : memref<128x32xf32, #tpu.memory_space<vmem>>) offsets(%dma_start3A_20 : memref<128xi32, #tpu.memory_space<vmem>>) semaphore(%dma_start3A_25 : memref<!tpu.dma_semaphore, #tpu.memory_space<semaphore_mem>>)
    %while3A = arith.constant 0 : i32
    %while3A_26 = arith.constant 160 : i32
    %while3A_27 = arith.subi %while3A_26, %sub3A : i32
    %while3A_28 = arith.addi %sub3A, %while3A_27 : i32
    %while3A_29 = arith.constant 1 : i32
    %while3A_30 = arith.divsi %while3A_27, %while3A_29 : i32
    %while3A_31 = arith.muli %while3A_30, %while3A_29 : i32
    %while3A_32 = arith.addi %sub3A, %while3A_31 : i32
    %while3A_33 = arith.constant 1 : i32
    scf.for %while3A_40 = %sub3A to %while3A_32 step %while3A_33  : i32 {
      %add3A = arith.constant 1 : i32
      %add3A_41 = arith.addi %while3A_40, %add3A : i32
      %lt3A = arith.constant 160 : i32
      %lt3A_42 = arith.cmpi slt, %add3A_41, %lt3A : i32
      %convert_element_type3A = arith.extui %lt3A_42 : i1 to i32
      %cond3A = arith.constant 0 : i32
      %cond3A_43 = arith.cmpi ne, %convert_element_type3A, %cond3A : i32
      scf.if %cond3A_43 {
        %add3A_98 = arith.constant 1 : i32
        %add3A_99 = arith.addi %while3A_40, %add3A_98 : i32
        %add3A_100 = arith.constant 1 : i32
        %add3A_101 = arith.addi %while3A_40, %add3A_100 : i32
        %jit3A_102 = arith.constant 2 : i32
        %eq3A_103 = arith.constant 0 : i32
        %eq3A_104 = arith.cmpi eq, %jit3A_102, %eq3A_103 : i32
        %jit3A_105 = arith.constant 1 : i32
        %select_n3A_106 = arith.select %eq3A_104, %jit3A_105, %jit3A_102 : i32
        %rem3A_107 = arith.remsi %add3A_101, %select_n3A_106 : i32
        %ne3A_108 = arith.constant 0 : i32
        %ne3A_109 = arith.cmpi ne, %rem3A_107, %ne3A_108 : i32
        %lt3A_110 = arith.constant 0 : i32
        %lt3A_111 = arith.cmpi slt, %rem3A_107, %lt3A_110 : i32
        %lt3A_112 = arith.constant 0 : i32
        %lt3A_113 = arith.cmpi slt, %select_n3A_106, %lt3A_112 : i32
        %ne3A_114 = arith.xori %lt3A_111, %lt3A_113 : i1
        %and3A_115 = arith.andi %ne3A_114, %ne3A_109 : i1
        %add3A_116 = arith.addi %rem3A_107, %select_n3A_106 : i32
        %select_n3A_117 = arith.select %and3A_115, %add3A_116, %rem3A_107 : i32
        %add3A_118 = arith.constant 1 : i32
        %add3A_119 = arith.addi %while3A_40, %add3A_118 : i32
        %jit3A_120 = arith.constant 2 : i32
        %eq3A_121 = arith.constant 0 : i32
        %eq3A_122 = arith.cmpi eq, %jit3A_120, %eq3A_121 : i32
        %jit3A_123 = arith.constant 1 : i32
        %select_n3A_124 = arith.select %eq3A_122, %jit3A_123, %jit3A_120 : i32
        %rem3A_125 = arith.remsi %add3A_119, %select_n3A_124 : i32
        %ne3A_126 = arith.constant 0 : i32
        %ne3A_127 = arith.cmpi ne, %rem3A_125, %ne3A_126 : i32
        %lt3A_128 = arith.constant 0 : i32
        %lt3A_129 = arith.cmpi slt, %rem3A_125, %lt3A_128 : i32
        %lt3A_130 = arith.constant 0 : i32
        %lt3A_131 = arith.cmpi slt, %select_n3A_124, %lt3A_130 : i32
        %ne3A_132 = arith.xori %lt3A_129, %lt3A_131 : i1
        %and3A_133 = arith.andi %ne3A_132, %ne3A_127 : i1
        %add3A_134 = arith.addi %rem3A_125, %select_n3A_124 : i32
        %select_n3A_135 = arith.select %and3A_133, %add3A_134, %rem3A_125 : i32
        %dma_start3A_136 = arith.constant 0 : i32
        %dma_start3A_137 = arith.constant 0 : i32
        %dma_start3A_138 = arith.constant 0 : i32
        %dma_start3A_139 = tpu.memref_slice %arg7[%select_n3A_117, %dma_start3A_137, %dma_start3A_138] : memref<2x128x32xf32, #tpu.memory_space<vmem>> -> memref<1x128x32xf32, #tpu.memory_space<vmem>>
        %dma_start3A_140 = tpu.memref_squeeze %dma_start3A_139 : memref<1x128x32xf32, #tpu.memory_space<vmem>> -> memref<128x32xf32, #tpu.memory_space<vmem>>
        %dma_start3A_141 = arith.constant 0 : i32
        %dma_start3A_142 = tpu.memref_slice %arg6[%add3A_99, %dma_start3A_136, %dma_start3A_141] : memref<160x2x128xi32, #tpu.memory_space<vmem>> -> memref<1x1x128xi32, #tpu.memory_space<vmem>>
        %dma_start3A_143 = tpu.memref_squeeze %dma_start3A_142 : memref<1x1x128xi32, #tpu.memory_space<vmem>> -> memref<128xi32, #tpu.memory_space<vmem>>
        %dma_start3A_144 = arith.constant 0 : i32
        %dma_start3A_145 = arith.constant 0 : i32
        %dma_start3A_146 = tpu.memref_slice %arg9[%dma_start3A_144, %dma_start3A_145] : memref<10240x32xf32, #tpu.memory_space<vmem_shared>> -> memref<10240x32xf32, #tpu.memory_space<vmem_shared>>
        %dma_start3A_147 = tpu.memref_slice %arg10[%select_n3A_135] : memref<2x!tpu.dma_semaphore, #tpu.memory_space<semaphore_mem>> -> memref<1x!tpu.dma_semaphore, #tpu.memory_space<semaphore_mem>>
        %dma_start3A_148 = tpu.memref_squeeze %dma_start3A_147 : memref<1x!tpu.dma_semaphore, #tpu.memory_space<semaphore_mem>> -> memref<!tpu.dma_semaphore, #tpu.memory_space<semaphore_mem>>
        tpu.enqueue_indirect_dma source(%dma_start3A_146 : memref<10240x32xf32, #tpu.memory_space<vmem_shared>>) target(%dma_start3A_140 : memref<128x32xf32, #tpu.memory_space<vmem>>) offsets(%dma_start3A_143 : memref<128xi32, #tpu.memory_space<vmem>>) semaphore(%dma_start3A_148 : memref<!tpu.dma_semaphore, #tpu.memory_space<semaphore_mem>>)
      } else {
      }
      %jit3A = arith.constant 2 : i32
      %eq3A = arith.constant 0 : i32
      %eq3A_44 = arith.cmpi eq, %jit3A, %eq3A : i32
      %jit3A_45 = arith.constant 1 : i32
      %select_n3A = arith.select %eq3A_44, %jit3A_45, %jit3A : i32
      %rem3A = arith.remsi %while3A_40, %select_n3A : i32
      %ne3A = arith.constant 0 : i32
      %ne3A_46 = arith.cmpi ne, %rem3A, %ne3A : i32
      %lt3A_47 = arith.constant 0 : i32
      %lt3A_48 = arith.cmpi slt, %rem3A, %lt3A_47 : i32
      %lt3A_49 = arith.constant 0 : i32
      %lt3A_50 = arith.cmpi slt, %select_n3A, %lt3A_49 : i32
      %ne3A_51 = arith.xori %lt3A_48, %lt3A_50 : i1
      %and3A = arith.andi %ne3A_51, %ne3A_46 : i1
      %add3A_52 = arith.addi %rem3A, %select_n3A : i32
      %select_n3A_53 = arith.select %and3A, %add3A_52, %rem3A : i32
      %jit3A_54 = arith.constant 2 : i32
      %eq3A_55 = arith.constant 0 : i32
      %eq3A_56 = arith.cmpi eq, %jit3A_54, %eq3A_55 : i32
      %jit3A_57 = arith.constant 1 : i32
      %select_n3A_58 = arith.select %eq3A_56, %jit3A_57, %jit3A_54 : i32
      %rem3A_59 = arith.remsi %while3A_40, %select_n3A_58 : i32
      %ne3A_60 = arith.constant 0 : i32
      %ne3A_61 = arith.cmpi ne, %rem3A_59, %ne3A_60 : i32
      %lt3A_62 = arith.constant 0 : i32
      %lt3A_63 = arith.cmpi slt, %rem3A_59, %lt3A_62 : i32
      %lt3A_64 = arith.constant 0 : i32
      %lt3A_65 = arith.cmpi slt, %select_n3A_58, %lt3A_64 : i32
      %ne3A_66 = arith.xori %lt3A_63, %lt3A_65 : i1
      %and3A_67 = arith.andi %ne3A_66, %ne3A_61 : i1
      %add3A_68 = arith.addi %rem3A_59, %select_n3A_58 : i32
      %select_n3A_69 = arith.select %and3A_67, %add3A_68, %rem3A_59 : i32
      %dma_wait3A = arith.constant 0 : i32
      %dma_wait3A_70 = arith.constant 0 : i32
      %dma_wait3A_71 = arith.constant 0 : i32
      %dma_wait3A_72 = tpu.memref_slice %arg7[%select_n3A_53, %dma_wait3A_70, %dma_wait3A_71] : memref<2x128x32xf32, #tpu.memory_space<vmem>> -> memref<1x128x32xf32, #tpu.memory_space<vmem>>
      %dma_wait3A_73 = tpu.memref_squeeze %dma_wait3A_72 : memref<1x128x32xf32, #tpu.memory_space<vmem>> -> memref<128x32xf32, #tpu.memory_space<vmem>>
      %dma_wait3A_74 = arith.constant 0 : i32
      %dma_wait3A_75 = tpu.memref_slice %arg6[%while3A_40, %dma_wait3A, %dma_wait3A_74] : memref<160x2x128xi32, #tpu.memory_space<vmem>> -> memref<1x1x128xi32, #tpu.memory_space<vmem>>
      %dma_wait3A_76 = tpu.memref_squeeze %dma_wait3A_75 : memref<1x1x128xi32, #tpu.memory_space<vmem>> -> memref<128xi32, #tpu.memory_space<vmem>>
      %dma_wait3A_77 = arith.constant 0 : i32
      %dma_wait3A_78 = arith.constant 0 : i32
      %dma_wait3A_79 = tpu.memref_slice %arg9[%dma_wait3A_77, %dma_wait3A_78] : memref<10240x32xf32, #tpu.memory_space<vmem_shared>> -> memref<10240x32xf32, #tpu.memory_space<vmem_shared>>
      %dma_wait3A_80 = tpu.memref_slice %arg10[%select_n3A_69] : memref<2x!tpu.dma_semaphore, #tpu.memory_space<semaphore_mem>> -> memref<1x!tpu.dma_semaphore, #tpu.memory_space<semaphore_mem>>
      %dma_wait3A_81 = tpu.memref_squeeze %dma_wait3A_80 : memref<1x!tpu.dma_semaphore, #tpu.memory_space<semaphore_mem>> -> memref<!tpu.dma_semaphore, #tpu.memory_space<semaphore_mem>>
      tpu.wait_indirect_dma semaphore(%dma_wait3A_81 : memref<!tpu.dma_semaphore, #tpu.memory_space<semaphore_mem>>) src(%dma_wait3A_79 : memref<10240x32xf32, #tpu.memory_space<vmem_shared>>) dst(%dma_wait3A_73 : memref<128x32xf32, #tpu.memory_space<vmem>>)
      %jit3A_82 = arith.constant 2 : i32
      %eq3A_83 = arith.constant 0 : i32
      %eq3A_84 = arith.cmpi eq, %jit3A_82, %eq3A_83 : i32
      %jit3A_85 = arith.constant 1 : i32
      %select_n3A_86 = arith.select %eq3A_84, %jit3A_85, %jit3A_82 : i32
      %rem3A_87 = arith.remsi %while3A_40, %select_n3A_86 : i32
      %ne3A_88 = arith.constant 0 : i32
      %ne3A_89 = arith.cmpi ne, %rem3A_87, %ne3A_88 : i32
      %lt3A_90 = arith.constant 0 : i32
      %lt3A_91 = arith.cmpi slt, %rem3A_87, %lt3A_90 : i32
      %lt3A_92 = arith.constant 0 : i32
      %lt3A_93 = arith.cmpi slt, %select_n3A_86, %lt3A_92 : i32
      %ne3A_94 = arith.xori %lt3A_91, %lt3A_93 : i1
      %and3A_95 = arith.andi %ne3A_94, %ne3A_89 : i1
      %add3A_96 = arith.addi %rem3A_87, %select_n3A_86 : i32
      %select_n3A_97 = arith.select %and3A_95, %add3A_96, %rem3A_87 : i32
      %run_scoped3A = arith.constant 1 : i32
      "tpu.region"() ({
        %run_scoped3A_98 = tpu.sem_alloc : memref<!tpu.dma_semaphore, #tpu.memory_space<semaphore_mem>>
        %dma_start3A_99 = arith.constant 0 : i32
        %dma_start3A_100 = arith.constant 0 : i32
        %dma_start3A_101 = tpu.memref_slice %arg7[%select_n3A_97, %dma_start3A_99, %dma_start3A_100] : memref<2x128x32xf32, #tpu.memory_space<vmem>> -> memref<1x128x32xf32, #tpu.memory_space<vmem>>
        %dma_start3A_102 = tpu.memref_squeeze %dma_start3A_101 : memref<1x128x32xf32, #tpu.memory_space<vmem>> -> memref<128x32xf32, #tpu.memory_space<vmem>>
        %dma_start3A_103 = arith.constant 0 : i32
        %dma_start3A_104 = tpu.memref_slice %arg6[%while3A_40, %run_scoped3A, %dma_start3A_103] : memref<160x2x128xi32, #tpu.memory_space<vmem>> -> memref<1x1x128xi32, #tpu.memory_space<vmem>>
        %dma_start3A_105 = tpu.memref_squeeze %dma_start3A_104 : memref<1x1x128xi32, #tpu.memory_space<vmem>> -> memref<128xi32, #tpu.memory_space<vmem>>
        %dma_start3A_106 = arith.constant 0 : i32
        %dma_start3A_107 = arith.constant 0 : i32
        %dma_start3A_108 = tpu.memref_slice %arg8[%dma_start3A_106, %dma_start3A_107] : memref<10240x32xf32, #tpu.memory_space<vmem_shared>> -> memref<10240x32xf32, #tpu.memory_space<vmem_shared>>
        tpu.enqueue_indirect_dma source(%dma_start3A_102 : memref<128x32xf32, #tpu.memory_space<vmem>>) target(%dma_start3A_108 : memref<10240x32xf32, #tpu.memory_space<vmem_shared>>) offsets(%dma_start3A_105 : memref<128xi32, #tpu.memory_space<vmem>>) semaphore(%run_scoped3A_98 : memref<!tpu.dma_semaphore, #tpu.memory_space<semaphore_mem>>) {add = true}
        %dma_wait3A_109 = arith.constant 0 : i32
        %dma_wait3A_110 = arith.constant 0 : i32
        %dma_wait3A_111 = tpu.memref_slice %arg7[%select_n3A_97, %dma_wait3A_109, %dma_wait3A_110] : memref<2x128x32xf32, #tpu.memory_space<vmem>> -> memref<1x128x32xf32, #tpu.memory_space<vmem>>
        %dma_wait3A_112 = tpu.memref_squeeze %dma_wait3A_111 : memref<1x128x32xf32, #tpu.memory_space<vmem>> -> memref<128x32xf32, #tpu.memory_space<vmem>>
        %dma_wait3A_113 = arith.constant 0 : i32
        %dma_wait3A_114 = tpu.memref_slice %arg6[%while3A_40, %run_scoped3A, %dma_wait3A_113] : memref<160x2x128xi32, #tpu.memory_space<vmem>> -> memref<1x1x128xi32, #tpu.memory_space<vmem>>
        %dma_wait3A_115 = tpu.memref_squeeze %dma_wait3A_114 : memref<1x1x128xi32, #tpu.memory_space<vmem>> -> memref<128xi32, #tpu.memory_space<vmem>>
        %dma_wait3A_116 = arith.constant 0 : i32
        %dma_wait3A_117 = arith.constant 0 : i32
        %dma_wait3A_118 = tpu.memref_slice %arg8[%dma_wait3A_116, %dma_wait3A_117] : memref<10240x32xf32, #tpu.memory_space<vmem_shared>> -> memref<10240x32xf32, #tpu.memory_space<vmem_shared>>
        tpu.wait_indirect_dma semaphore(%run_scoped3A_98 : memref<!tpu.dma_semaphore, #tpu.memory_space<semaphore_mem>>) src(%dma_wait3A_112 : memref<128x32xf32, #tpu.memory_space<vmem>>) dst(%dma_wait3A_118 : memref<10240x32xf32, #tpu.memory_space<vmem_shared>>)
        tpu.yield
      }) : () -> ()
    }
    %while3A_34 = arith.constant 1 : i32
    scf.for %while3A_40 = %while3A_32 to %while3A_28 step %while3A_34  : i32 {
      %add3A = arith.constant 1 : i32
      %add3A_41 = arith.addi %while3A_40, %add3A : i32
      %lt3A = arith.constant 160 : i32
      %lt3A_42 = arith.cmpi slt, %add3A_41, %lt3A : i32
      %convert_element_type3A = arith.extui %lt3A_42 : i1 to i32
      %cond3A = arith.constant 0 : i32
      %cond3A_43 = arith.cmpi ne, %convert_element_type3A, %cond3A : i32
      scf.if %cond3A_43 {
        %add3A_98 = arith.constant 1 : i32
        %add3A_99 = arith.addi %while3A_40, %add3A_98 : i32
        %add3A_100 = arith.constant 1 : i32
        %add3A_101 = arith.addi %while3A_40, %add3A_100 : i32
        %jit3A_102 = arith.constant 2 : i32
        %eq3A_103 = arith.constant 0 : i32
        %eq3A_104 = arith.cmpi eq, %jit3A_102, %eq3A_103 : i32
        %jit3A_105 = arith.constant 1 : i32
        %select_n3A_106 = arith.select %eq3A_104, %jit3A_105, %jit3A_102 : i32
        %rem3A_107 = arith.remsi %add3A_101, %select_n3A_106 : i32
        %ne3A_108 = arith.constant 0 : i32
        %ne3A_109 = arith.cmpi ne, %rem3A_107, %ne3A_108 : i32
        %lt3A_110 = arith.constant 0 : i32
        %lt3A_111 = arith.cmpi slt, %rem3A_107, %lt3A_110 : i32
        %lt3A_112 = arith.constant 0 : i32
        %lt3A_113 = arith.cmpi slt, %select_n3A_106, %lt3A_112 : i32
        %ne3A_114 = arith.xori %lt3A_111, %lt3A_113 : i1
        %and3A_115 = arith.andi %ne3A_114, %ne3A_109 : i1
        %add3A_116 = arith.addi %rem3A_107, %select_n3A_106 : i32
        %select_n3A_117 = arith.select %and3A_115, %add3A_116, %rem3A_107 : i32
        %add3A_118 = arith.constant 1 : i32
        %add3A_119 = arith.addi %while3A_40, %add3A_118 : i32
        %jit3A_120 = arith.constant 2 : i32
        %eq3A_121 = arith.constant 0 : i32
        %eq3A_122 = arith.cmpi eq, %jit3A_120, %eq3A_121 : i32
        %jit3A_123 = arith.constant 1 : i32
        %select_n3A_124 = arith.select %eq3A_122, %jit3A_123, %jit3A_120 : i32
        %rem3A_125 = arith.remsi %add3A_119, %select_n3A_124 : i32
        %ne3A_126 = arith.constant 0 : i32
        %ne3A_127 = arith.cmpi ne, %rem3A_125, %ne3A_126 : i32
        %lt3A_128 = arith.constant 0 : i32
        %lt3A_129 = arith.cmpi slt, %rem3A_125, %lt3A_128 : i32
        %lt3A_130 = arith.constant 0 : i32
        %lt3A_131 = arith.cmpi slt, %select_n3A_124, %lt3A_130 : i32
        %ne3A_132 = arith.xori %lt3A_129, %lt3A_131 : i1
        %and3A_133 = arith.andi %ne3A_132, %ne3A_127 : i1
        %add3A_134 = arith.addi %rem3A_125, %select_n3A_124 : i32
        %select_n3A_135 = arith.select %and3A_133, %add3A_134, %rem3A_125 : i32
        %dma_start3A_136 = arith.constant 0 : i32
        %dma_start3A_137 = arith.constant 0 : i32
        %dma_start3A_138 = arith.constant 0 : i32
        %dma_start3A_139 = tpu.memref_slice %arg7[%select_n3A_117, %dma_start3A_137, %dma_start3A_138] : memref<2x128x32xf32, #tpu.memory_space<vmem>> -> memref<1x128x32xf32, #tpu.memory_space<vmem>>
        %dma_start3A_140 = tpu.memref_squeeze %dma_start3A_139 : memref<1x128x32xf32, #tpu.memory_space<vmem>> -> memref<128x32xf32, #tpu.memory_space<vmem>>
        %dma_start3A_141 = arith.constant 0 : i32
        %dma_start3A_142 = tpu.memref_slice %arg6[%add3A_99, %dma_start3A_136, %dma_start3A_141] : memref<160x2x128xi32, #tpu.memory_space<vmem>> -> memref<1x1x128xi32, #tpu.memory_space<vmem>>
        %dma_start3A_143 = tpu.memref_squeeze %dma_start3A_142 : memref<1x1x128xi32, #tpu.memory_space<vmem>> -> memref<128xi32, #tpu.memory_space<vmem>>
        %dma_start3A_144 = arith.constant 0 : i32
        %dma_start3A_145 = arith.constant 0 : i32
        %dma_start3A_146 = tpu.memref_slice %arg9[%dma_start3A_144, %dma_start3A_145] : memref<10240x32xf32, #tpu.memory_space<vmem_shared>> -> memref<10240x32xf32, #tpu.memory_space<vmem_shared>>
        %dma_start3A_147 = tpu.memref_slice %arg10[%select_n3A_135] : memref<2x!tpu.dma_semaphore, #tpu.memory_space<semaphore_mem>> -> memref<1x!tpu.dma_semaphore, #tpu.memory_space<semaphore_mem>>
        %dma_start3A_148 = tpu.memref_squeeze %dma_start3A_147 : memref<1x!tpu.dma_semaphore, #tpu.memory_space<semaphore_mem>> -> memref<!tpu.dma_semaphore, #tpu.memory_space<semaphore_mem>>
        tpu.enqueue_indirect_dma source(%dma_start3A_146 : memref<10240x32xf32, #tpu.memory_space<vmem_shared>>) target(%dma_start3A_140 : memref<128x32xf32, #tpu.memory_space<vmem>>) offsets(%dma_start3A_143 : memref<128xi32, #tpu.memory_space<vmem>>) semaphore(%dma_start3A_148 : memref<!tpu.dma_semaphore, #tpu.memory_space<semaphore_mem>>)
      } else {
      }
      %jit3A = arith.constant 2 : i32
      %eq3A = arith.constant 0 : i32
      %eq3A_44 = arith.cmpi eq, %jit3A, %eq3A : i32
      %jit3A_45 = arith.constant 1 : i32
      %select_n3A = arith.select %eq3A_44, %jit3A_45, %jit3A : i32
      %rem3A = arith.remsi %while3A_40, %select_n3A : i32
      %ne3A = arith.constant 0 : i32
      %ne3A_46 = arith.cmpi ne, %rem3A, %ne3A : i32
      %lt3A_47 = arith.constant 0 : i32
      %lt3A_48 = arith.cmpi slt, %rem3A, %lt3A_47 : i32
      %lt3A_49 = arith.constant 0 : i32
      %lt3A_50 = arith.cmpi slt, %select_n3A, %lt3A_49 : i32
      %ne3A_51 = arith.xori %lt3A_48, %lt3A_50 : i1
      %and3A = arith.andi %ne3A_51, %ne3A_46 : i1
      %add3A_52 = arith.addi %rem3A, %select_n3A : i32
      %select_n3A_53 = arith.select %and3A, %add3A_52, %rem3A : i32
      %jit3A_54 = arith.constant 2 : i32
      %eq3A_55 = arith.constant 0 : i32
      %eq3A_56 = arith.cmpi eq, %jit3A_54, %eq3A_55 : i32
      %jit3A_57 = arith.constant 1 : i32
      %select_n3A_58 = arith.select %eq3A_56, %jit3A_57, %jit3A_54 : i32
      %rem3A_59 = arith.remsi %while3A_40, %select_n3A_58 : i32
      %ne3A_60 = arith.constant 0 : i32
      %ne3A_61 = arith.cmpi ne, %rem3A_59, %ne3A_60 : i32
      %lt3A_62 = arith.constant 0 : i32
      %lt3A_63 = arith.cmpi slt, %rem3A_59, %lt3A_62 : i32
      %lt3A_64 = arith.constant 0 : i32
      %lt3A_65 = arith.cmpi slt, %select_n3A_58, %lt3A_64 : i32
      %ne3A_66 = arith.xori %lt3A_63, %lt3A_65 : i1
      %and3A_67 = arith.andi %ne3A_66, %ne3A_61 : i1
      %add3A_68 = arith.addi %rem3A_59, %select_n3A_58 : i32
      %select_n3A_69 = arith.select %and3A_67, %add3A_68, %rem3A_59 : i32
      %dma_wait3A = arith.constant 0 : i32
      %dma_wait3A_70 = arith.constant 0 : i32
      %dma_wait3A_71 = arith.constant 0 : i32
      %dma_wait3A_72 = tpu.memref_slice %arg7[%select_n3A_53, %dma_wait3A_70, %dma_wait3A_71] : memref<2x128x32xf32, #tpu.memory_space<vmem>> -> memref<1x128x32xf32, #tpu.memory_space<vmem>>
      %dma_wait3A_73 = tpu.memref_squeeze %dma_wait3A_72 : memref<1x128x32xf32, #tpu.memory_space<vmem>> -> memref<128x32xf32, #tpu.memory_space<vmem>>
      %dma_wait3A_74 = arith.constant 0 : i32
      %dma_wait3A_75 = tpu.memref_slice %arg6[%while3A_40, %dma_wait3A, %dma_wait3A_74] : memref<160x2x128xi32, #tpu.memory_space<vmem>> -> memref<1x1x128xi32, #tpu.memory_space<vmem>>
      %dma_wait3A_76 = tpu.memref_squeeze %dma_wait3A_75 : memref<1x1x128xi32, #tpu.memory_space<vmem>> -> memref<128xi32, #tpu.memory_space<vmem>>
      %dma_wait3A_77 = arith.constant 0 : i32
      %dma_wait3A_78 = arith.constant 0 : i32
      %dma_wait3A_79 = tpu.memref_slice %arg9[%dma_wait3A_77, %dma_wait3A_78] : memref<10240x32xf32, #tpu.memory_space<vmem_shared>> -> memref<10240x32xf32, #tpu.memory_space<vmem_shared>>
      %dma_wait3A_80 = tpu.memref_slice %arg10[%select_n3A_69] : memref<2x!tpu.dma_semaphore, #tpu.memory_space<semaphore_mem>> -> memref<1x!tpu.dma_semaphore, #tpu.memory_space<semaphore_mem>>
      %dma_wait3A_81 = tpu.memref_squeeze %dma_wait3A_80 : memref<1x!tpu.dma_semaphore, #tpu.memory_space<semaphore_mem>> -> memref<!tpu.dma_semaphore, #tpu.memory_space<semaphore_mem>>
      tpu.wait_indirect_dma semaphore(%dma_wait3A_81 : memref<!tpu.dma_semaphore, #tpu.memory_space<semaphore_mem>>) src(%dma_wait3A_79 : memref<10240x32xf32, #tpu.memory_space<vmem_shared>>) dst(%dma_wait3A_73 : memref<128x32xf32, #tpu.memory_space<vmem>>)
      %jit3A_82 = arith.constant 2 : i32
      %eq3A_83 = arith.constant 0 : i32
      %eq3A_84 = arith.cmpi eq, %jit3A_82, %eq3A_83 : i32
      %jit3A_85 = arith.constant 1 : i32
      %select_n3A_86 = arith.select %eq3A_84, %jit3A_85, %jit3A_82 : i32
      %rem3A_87 = arith.remsi %while3A_40, %select_n3A_86 : i32
      %ne3A_88 = arith.constant 0 : i32
      %ne3A_89 = arith.cmpi ne, %rem3A_87, %ne3A_88 : i32
      %lt3A_90 = arith.constant 0 : i32
      %lt3A_91 = arith.cmpi slt, %rem3A_87, %lt3A_90 : i32
      %lt3A_92 = arith.constant 0 : i32
      %lt3A_93 = arith.cmpi slt, %select_n3A_86, %lt3A_92 : i32
      %ne3A_94 = arith.xori %lt3A_91, %lt3A_93 : i1
      %and3A_95 = arith.andi %ne3A_94, %ne3A_89 : i1
      %add3A_96 = arith.addi %rem3A_87, %select_n3A_86 : i32
      %select_n3A_97 = arith.select %and3A_95, %add3A_96, %rem3A_87 : i32
      %run_scoped3A = arith.constant 1 : i32
      "tpu.region"() ({
        %run_scoped3A_98 = tpu.sem_alloc : memref<!tpu.dma_semaphore, #tpu.memory_space<semaphore_mem>>
        %dma_start3A_99 = arith.constant 0 : i32
        %dma_start3A_100 = arith.constant 0 : i32
        %dma_start3A_101 = tpu.memref_slice %arg7[%select_n3A_97, %dma_start3A_99, %dma_start3A_100] : memref<2x128x32xf32, #tpu.memory_space<vmem>> -> memref<1x128x32xf32, #tpu.memory_space<vmem>>
        %dma_start3A_102 = tpu.memref_squeeze %dma_start3A_101 : memref<1x128x32xf32, #tpu.memory_space<vmem>> -> memref<128x32xf32, #tpu.memory_space<vmem>>
        %dma_start3A_103 = arith.constant 0 : i32
        %dma_start3A_104 = tpu.memref_slice %arg6[%while3A_40, %run_scoped3A, %dma_start3A_103] : memref<160x2x128xi32, #tpu.memory_space<vmem>> -> memref<1x1x128xi32, #tpu.memory_space<vmem>>
        %dma_start3A_105 = tpu.memref_squeeze %dma_start3A_104 : memref<1x1x128xi32, #tpu.memory_space<vmem>> -> memref<128xi32, #tpu.memory_space<vmem>>
        %dma_start3A_106 = arith.constant 0 : i32
        %dma_start3A_107 = arith.constant 0 : i32
        %dma_start3A_108 = tpu.memref_slice %arg8[%dma_start3A_106, %dma_start3A_107] : memref<10240x32xf32, #tpu.memory_space<vmem_shared>> -> memref<10240x32xf32, #tpu.memory_space<vmem_shared>>
        tpu.enqueue_indirect_dma source(%dma_start3A_102 : memref<128x32xf32, #tpu.memory_space<vmem>>) target(%dma_start3A_108 : memref<10240x32xf32, #tpu.memory_space<vmem_shared>>) offsets(%dma_start3A_105 : memref<128xi32, #tpu.memory_space<vmem>>) semaphore(%run_scoped3A_98 : memref<!tpu.dma_semaphore, #tpu.memory_space<semaphore_mem>>) {add = true}
        %dma_wait3A_109 = arith.constant 0 : i32
        %dma_wait3A_110 = arith.constant 0 : i32
        %dma_wait3A_111 = tpu.memref_slice %arg7[%select_n3A_97, %dma_wait3A_109, %dma_wait3A_110] : memref<2x128x32xf32, #tpu.memory_space<vmem>> -> memref<1x128x32xf32, #tpu.memory_space<vmem>>
        %dma_wait3A_112 = tpu.memref_squeeze %dma_wait3A_111 : memref<1x128x32xf32, #tpu.memory_space<vmem>> -> memref<128x32xf32, #tpu.memory_space<vmem>>
        %dma_wait3A_113 = arith.constant 0 : i32
        %dma_wait3A_114 = tpu.memref_slice %arg6[%while3A_40, %run_scoped3A, %dma_wait3A_113] : memref<160x2x128xi32, #tpu.memory_space<vmem>> -> memref<1x1x128xi32, #tpu.memory_space<vmem>>
        %dma_wait3A_115 = tpu.memref_squeeze %dma_wait3A_114 : memref<1x1x128xi32, #tpu.memory_space<vmem>> -> memref<128xi32, #tpu.memory_space<vmem>>
        %dma_wait3A_116 = arith.constant 0 : i32
        %dma_wait3A_117 = arith.constant 0 : i32
        %dma_wait3A_118 = tpu.memref_slice %arg8[%dma_wait3A_116, %dma_wait3A_117] : memref<10240x32xf32, #tpu.memory_space<vmem_shared>> -> memref<10240x32xf32, #tpu.memory_space<vmem_shared>>
        tpu.wait_indirect_dma semaphore(%run_scoped3A_98 : memref<!tpu.dma_semaphore, #tpu.memory_space<semaphore_mem>>) src(%dma_wait3A_112 : memref<128x32xf32, #tpu.memory_space<vmem>>) dst(%dma_wait3A_118 : memref<10240x32xf32, #tpu.memory_space<vmem_shared>>)
        tpu.yield
      }) : () -> ()
    }
    %barrier3A_35 = arith.constant 0 : index
    tpu.barrier barrier_id(%barrier3A_35)
    %mul3A_36 = arith.constant 640 : i32
    %mul3A_37 = arith.muli %arg1, %mul3A_36 : i32
    %mul3A_38 = arith.constant 640 : i32
    %mul3A_39 = arith.muli %arg1, %mul3A_38 : i32
    "tpu.region"() ({
      %run_scoped3A = tpu.sem_alloc : memref<!tpu.dma_semaphore, #tpu.memory_space<semaphore_mem>>
      %dma_start3A_40 = arith.constant 0 : i32
      %dma_start3A_41 = tpu.memref_slice %arg5[%arg0, %mul3A_39, %dma_start3A_40] : memref<2x10240x32xf32, #tpu.memory_space<hbm>> -> memref<1x640x32xf32, #tpu.memory_space<hbm>>
      %dma_start3A_42 = tpu.memref_squeeze %dma_start3A_41 : memref<1x640x32xf32, #tpu.memory_space<hbm>> -> memref<640x32xf32, #tpu.memory_space<hbm>>
      %dma_start3A_43 = arith.constant 0 : i32
      %dma_start3A_44 = tpu.memref_slice %arg8[%mul3A_37, %dma_start3A_43] : memref<10240x32xf32, #tpu.memory_space<vmem_shared>> -> memref<640x32xf32, #tpu.memory_space<vmem_shared>>
      tpu.enqueue_dma source(%dma_start3A_44 : memref<640x32xf32, #tpu.memory_space<vmem_shared>>) target(%dma_start3A_42 : memref<640x32xf32, #tpu.memory_space<hbm>>) target_semaphore(%run_scoped3A : memref<!tpu.dma_semaphore, #tpu.memory_space<semaphore_mem>>)
      %dma_wait3A = arith.constant 0 : i32
      %dma_wait3A_45 = tpu.memref_slice %arg5[%arg0, %mul3A_39, %dma_wait3A] : memref<2x10240x32xf32, #tpu.memory_space<hbm>> -> memref<1x640x32xf32, #tpu.memory_space<hbm>>
      %dma_wait3A_46 = tpu.memref_squeeze %dma_wait3A_45 : memref<1x640x32xf32, #tpu.memory_space<hbm>> -> memref<640x32xf32, #tpu.memory_space<hbm>>
      %dma_wait3A_47 = arith.constant 0 : i32
      %dma_wait3A_48 = tpu.memref_slice %arg8[%mul3A_37, %dma_wait3A_47] : memref<10240x32xf32, #tpu.memory_space<vmem_shared>> -> memref<640x32xf32, #tpu.memory_space<vmem_shared>>
      tpu.wait_dma2 semaphore(%run_scoped3A : memref<!tpu.dma_semaphore, #tpu.memory_space<semaphore_mem>>) src(%dma_wait3A_48 : memref<640x32xf32, #tpu.memory_space<vmem_shared>>) dst(%dma_wait3A_46 : memref<640x32xf32, #tpu.memory_space<hbm>>)
      tpu.yield
    }) : () -> ()
    return
  }
}

module attributes {stable_mosaic.version = 14 : i64} {
  func.func @body(%arg0: i32, %arg1: memref<2048x128xf32, #tpu.memory_space<vmem>>, %arg2: memref<2x128x32xf32, #tpu.memory_space<vmem>>, %arg3: memref<2x2048x32xf32, #tpu.memory_space<vmem>>) attributes {dimension_semantics = [#tpu.dimension_semantics<arbitrary>], iteration_bounds = array<i64: 5>, scalar_prefetch = 0 : i64, scratch_operands = 0 : i64, tpu.core_type = #tpu.core_type<tc>, window_params = [{transform_indices = @transform_0, window_bounds = array<i64: 2048, 128>}, {pipeline_mode = #tpu.pipeline_mode<synchronous>, transform_indices = @transform_1, window_bounds = array<i64: 2, 128, 32>}, {transform_indices = @transform_2, window_bounds = array<i64: 2, 2048, 32>}]} {
    %get3A = arith.constant 0 : index
    %get3A_0 = arith.constant 0 : index
    %get3A_1 = vector.load %arg1[%get3A, %get3A_0] : memref<2048x128xf32, #tpu.memory_space<vmem>>, vector<2048x128xf32>
    %get3A_2 = arith.constant 0 : index
    %get3A_3 = arith.constant 0 : index
    %get3A_4 = arith.constant 0 : index
    %get3A_5 = vector.load %arg2[%get3A_2, %get3A_3, %get3A_4] : memref<2x128x32xf32, #tpu.memory_space<vmem>>, vector<1x128x32xf32>
    %get3A_6 = vector.shape_cast %get3A_5 : vector<1x128x32xf32> to vector<128x32xf32>
    %dot_general3A = arith.constant dense<0.000000e+00> : vector<2048x32xf32>
    %dot_general3A_7 = tpu.matmul %get3A_1, %get3A_6, %dot_general3A {dimension_numbers = #tpu.dot_dimension_numbers<[1], [0], [0], [1], [0, 0, 1, 1], [], []>, transpose_lhs_hint = false} : vector<2048x128xf32>, vector<128x32xf32>, vector<2048x32xf32> -> vector<2048x32xf32>
    %swap3A = arith.constant 0 : index
    %swap3A_8 = arith.constant 0 : index
    %swap3A_9 = arith.constant 0 : index
    %swap3A_10 = vector.load %arg3[%swap3A, %swap3A_8, %swap3A_9] : memref<2x2048x32xf32, #tpu.memory_space<vmem>>, vector<1x2048x32xf32>
    %swap3A_11 = vector.shape_cast %swap3A_10 : vector<1x2048x32xf32> to vector<2048x32xf32>
    %swap3A_12 = vector.shape_cast %dot_general3A_7 : vector<2048x32xf32> to vector<1x2048x32xf32>
    tpu.vector_store %arg3[%swap3A, %swap3A_8, %swap3A_9], %swap3A_12 {strides = array<i32>} : memref<2x2048x32xf32, #tpu.memory_space<vmem>>, vector<1x2048x32xf32>,
    %get3A_13 = arith.constant 1 : index
    %get3A_14 = arith.constant 0 : index
    %get3A_15 = arith.constant 0 : index
    %get3A_16 = vector.load %arg2[%get3A_13, %get3A_14, %get3A_15] : memref<2x128x32xf32, #tpu.memory_space<vmem>>, vector<1x128x32xf32>
    %get3A_17 = vector.shape_cast %get3A_16 : vector<1x128x32xf32> to vector<128x32xf32>
    %dot_general3A_18 = arith.constant dense<0.000000e+00> : vector<2048x32xf32>
    %dot_general3A_19 = tpu.matmul %get3A_1, %get3A_17, %dot_general3A_18 {dimension_numbers = #tpu.dot_dimension_numbers<[1], [0], [0], [1], [0, 0, 1, 1], [], []>, transpose_lhs_hint = false} : vector<2048x128xf32>, vector<128x32xf32>, vector<2048x32xf32> -> vector<2048x32xf32>
    %swap3A_20 = arith.constant 1 : index
    %swap3A_21 = arith.constant 0 : index
    %swap3A_22 = arith.constant 0 : index
    %swap3A_23 = vector.load %arg3[%swap3A_20, %swap3A_21, %swap3A_22] : memref<2x2048x32xf32, #tpu.memory_space<vmem>>, vector<1x2048x32xf32>
    %swap3A_24 = vector.shape_cast %swap3A_23 : vector<1x2048x32xf32> to vector<2048x32xf32>
    %swap3A_25 = vector.shape_cast %dot_general3A_19 : vector<2048x32xf32> to vector<1x2048x32xf32>
    tpu.vector_store %arg3[%swap3A_20, %swap3A_21, %swap3A_22], %swap3A_25 {strides = array<i32>} : memref<2x2048x32xf32, #tpu.memory_space<vmem>>, vector<1x2048x32xf32>,
    return
  }
  func.func @transform_0(%arg0: i32) -> (i32, i32) {
    %c0_i32 = arith.constant 0 : i32
    %c0_i32_0 = arith.constant 0 : i32
    return %arg0, %c0_i32 : i32, i32
  }
  func.func @transform_1(%arg0: i32) -> (i32, i32, i32) {
    %c0_i32 = arith.constant 0 : i32
    %c0_i32_0 = arith.constant 0 : i32
    %c0_i32_1 = arith.constant 0 : i32
    %c0_i32_2 = arith.constant 0 : i32
    return %c0_i32, %c0_i32_0, %c0_i32_1 : i32, i32, i32
  }
  func.func @transform_2(%arg0: i32) -> (i32, i32, i32) {
    %c0_i32 = arith.constant 0 : i32
    %c0_i32_0 = arith.constant 0 : i32
    %c0_i32_1 = arith.constant 0 : i32
    return %c0_i32, %arg0, %c0_i32_0 : i32, i32, i32
  }
}

module attributes {stable_mosaic.version = 14 : i64} {
  func.func @body(%arg0: i32, %arg1: memref<2048x128xf32, #tpu.memory_space<vmem>>, %arg2: memref<128x64xf32, #tpu.memory_space<vmem>>, %arg3: memref<2048x64xf32, #tpu.memory_space<vmem>>) attributes {dimension_semantics = [#tpu.dimension_semantics<arbitrary>], iteration_bounds = array<i64: 5>, scalar_prefetch = 0 : i64, scratch_operands = 0 : i64, tpu.core_type = #tpu.core_type<tc>, window_params = [{transform_indices = @transform_0, window_bounds = array<i64: 2048, 128>}, {pipeline_mode = #tpu.pipeline_mode<synchronous>, transform_indices = @transform_1, window_bounds = array<i64: 128, 64>}, {transform_indices = @transform_2, window_bounds = array<i64: 2048, 64>}]} {
    %get3A = arith.constant 0 : index
    %get3A_0 = arith.constant 0 : index
    %get3A_1 = vector.load %arg1[%get3A, %get3A_0] : memref<2048x128xf32, #tpu.memory_space<vmem>>, vector<2048x128xf32>
    %get3A_2 = arith.constant 0 : index
    %get3A_3 = arith.constant 0 : index
    %get3A_4 = vector.load %arg2[%get3A_2, %get3A_3] : memref<128x64xf32, #tpu.memory_space<vmem>>, vector<128x64xf32>
    %dot_general3A = arith.constant dense<0.000000e+00> : vector<2048x64xf32>
    %dot_general3A_5 = tpu.matmul %get3A_1, %get3A_4, %dot_general3A {dimension_numbers = #tpu.dot_dimension_numbers<[1], [0], [0], [1], [0, 0, 1, 1], [], []>, transpose_lhs_hint = false} : vector<2048x128xf32>, vector<128x64xf32>, vector<2048x64xf32> -> vector<2048x64xf32>
    %swap3A = arith.constant 0 : index
    %swap3A_6 = arith.constant 0 : index
    %swap3A_7 = vector.load %arg3[%swap3A, %swap3A_6] : memref<2048x64xf32, #tpu.memory_space<vmem>>, vector<2048x64xf32>
    tpu.vector_store %arg3[%swap3A, %swap3A_6], %dot_general3A_5 {strides = array<i32>} : memref<2048x64xf32, #tpu.memory_space<vmem>>, vector<2048x64xf32>,
    return
  }
  func.func @transform_0(%arg0: i32) -> (i32, i32) {
    %c0_i32 = arith.constant 0 : i32
    %c0_i32_0 = arith.constant 0 : i32
    return %arg0, %c0_i32 : i32, i32
  }
  func.func @transform_1(%arg0: i32) -> (i32, i32) {
    %c0_i32 = arith.constant 0 : i32
    %c0_i32_0 = arith.constant 0 : i32
    %c0_i32_1 = arith.constant 0 : i32
    return %c0_i32, %c0_i32_0 : i32, i32
  }
  func.func @transform_2(%arg0: i32) -> (i32, i32) {
    %c0_i32 = arith.constant 0 : i32
    %c0_i32_0 = arith.constant 0 : i32
    return %arg0, %c0_i32 : i32, i32
  }
}

module attributes {stable_mosaic.version = 14 : i64} {
  func.func @body(%arg0: i32, %arg1: memref<2048x64xf32, #tpu.memory_space<vmem>>, %arg2: memref<2x2048x32xf32, #tpu.memory_space<vmem>>, %arg3: memref<1x64xf32, #tpu.memory_space<vmem>>, %arg4: memref<2x64x8xf32, #tpu.memory_space<vmem>>, %arg5: memref<2x64x8xf32, #tpu.memory_space<vmem>>, %arg6: memref<2x1x8xf32, #tpu.memory_space<vmem>>, %arg7: memref<2x2x2048x8xf32, #tpu.memory_space<vmem>>) attributes {dimension_semantics = [#tpu.dimension_semantics<arbitrary>], iteration_bounds = array<i64: 5>, scalar_prefetch = 0 : i64, scratch_operands = 0 : i64, tpu.core_type = #tpu.core_type<tc>, window_params = [{transform_indices = @transform_0, window_bounds = array<i64: 2048, 64>}, {transform_indices = @transform_1, window_bounds = array<i64: 2, 2048, 32>}, {pipeline_mode = #tpu.pipeline_mode<synchronous>, transform_indices = @transform_2, window_bounds = array<i64: 1, 64>}, {pipeline_mode = #tpu.pipeline_mode<synchronous>, transform_indices = @transform_3, window_bounds = array<i64: 2, 64, 8>}, {pipeline_mode = #tpu.pipeline_mode<synchronous>, transform_indices = @transform_4, window_bounds = array<i64: 2, 64, 8>}, {pipeline_mode = #tpu.pipeline_mode<synchronous>, transform_indices = @transform_5, window_bounds = array<i64: 2, 1, 8>}, {transform_indices = @transform_6, window_bounds = array<i64: 2, 2, 2048, 8>}]} {
    %get3A = arith.constant 0 : index
    %get3A_0 = arith.constant 0 : index
    %get3A_1 = vector.load %arg1[%get3A, %get3A_0] : memref<2048x64xf32, #tpu.memory_space<vmem>>, vector<2048x64xf32>
    %get3A_2 = arith.constant 0 : index
    %get3A_3 = arith.constant 0 : index
    %get3A_4 = arith.constant 0 : index
    %get3A_5 = vector.load %arg2[%get3A_2, %get3A_3, %get3A_4] : memref<2x2048x32xf32, #tpu.memory_space<vmem>>, vector<1x2048x32xf32>
    %get3A_6 = vector.shape_cast %get3A_5 : vector<1x2048x32xf32> to vector<2048x32xf32>
    %get3A_7 = arith.constant 1 : index
    %get3A_8 = arith.constant 0 : index
    %get3A_9 = arith.constant 0 : index
    %get3A_10 = vector.load %arg2[%get3A_7, %get3A_8, %get3A_9] : memref<2x2048x32xf32, #tpu.memory_space<vmem>>, vector<1x2048x32xf32>
    %get3A_11 = vector.shape_cast %get3A_10 : vector<1x2048x32xf32> to vector<2048x32xf32>
    %concatenate3A = tpu.concatenate %get3A_6, %get3A_11 in 1 : vector<2048x32xf32>, vector<2048x32xf32> -> vector<2048x64xf32>
    %add3A = arith.addf %get3A_1, %concatenate3A : vector<2048x64xf32>
    %get3A_12 = arith.constant 0 : index
    %get3A_13 = arith.constant 0 : index
    %get3A_14 = vector.load %arg3[%get3A_12, %get3A_13] : memref<1x64xf32, #tpu.memory_space<vmem>>, vector<1x64xf32>
    %add3A_15 = vector.broadcast %get3A_14 : vector<1x64xf32> to vector<2048x64xf32>
    %add3A_16 = arith.addf %add3A, %add3A_15 : vector<2048x64xf32>
    %max3A = arith.constant 0.000000e+00 : f32
    %max3A_17 = vector.broadcast %max3A : f32 to vector<2048x64xf32>
    %max3A_18 = arith.maximumf %add3A_16, %max3A_17 : vector<2048x64xf32>
    %get3A_19 = arith.constant 0 : index
    %get3A_20 = arith.constant 0 : index
    %get3A_21 = arith.constant 0 : index
    %get3A_22 = vector.load %arg4[%get3A_19, %get3A_20, %get3A_21] : memref<2x64x8xf32, #tpu.memory_space<vmem>>, vector<1x64x8xf32>
    %get3A_23 = vector.shape_cast %get3A_22 : vector<1x64x8xf32> to vector<64x8xf32>
    %dot_general3A = arith.constant dense<0.000000e+00> : vector<2048x8xf32>
    %dot_general3A_24 = tpu.matmul %max3A_18, %get3A_23, %dot_general3A {dimension_numbers = #tpu.dot_dimension_numbers<[1], [0], [0], [1], [0, 0, 1, 1], [], []>, transpose_lhs_hint = false} : vector<2048x64xf32>, vector<64x8xf32>, vector<2048x8xf32> -> vector<2048x8xf32>
    %get3A_25 = arith.constant 0 : index
    %get3A_26 = arith.constant 0 : index
    %get3A_27 = arith.constant 0 : index
    %get3A_28 = vector.load %arg6[%get3A_25, %get3A_26, %get3A_27] : memref<2x1x8xf32, #tpu.memory_space<vmem>>, vector<1x1x8xf32>
    %get3A_29 = vector.shape_cast %get3A_28 : vector<1x1x8xf32> to vector<1x8xf32>
    %add3A_30 = vector.broadcast %get3A_29 : vector<1x8xf32> to vector<2048x8xf32>
    %add3A_31 = arith.addf %dot_general3A_24, %add3A_30 : vector<2048x8xf32>
    %swap3A = arith.constant 0 : index
    %swap3A_32 = arith.constant 0 : index
    %swap3A_33 = arith.constant 0 : index
    %swap3A_34 = arith.constant 0 : index
    %swap3A_35 = vector.load %arg7[%swap3A, %swap3A_32, %swap3A_33, %swap3A_34] : memref<2x2x2048x8xf32, #tpu.memory_space<vmem>>, vector<1x1x2048x8xf32>
    %swap3A_36 = vector.shape_cast %swap3A_35 : vector<1x1x2048x8xf32> to vector<2048x8xf32>
    %swap3A_37 = vector.shape_cast %add3A_31 : vector<2048x8xf32> to vector<1x1x2048x8xf32>
    tpu.vector_store %arg7[%swap3A, %swap3A_32, %swap3A_33, %swap3A_34], %swap3A_37 {strides = array<i32>} : memref<2x2x2048x8xf32, #tpu.memory_space<vmem>>, vector<1x1x2048x8xf32>,
    %get3A_38 = arith.constant 1 : index
    %get3A_39 = arith.constant 0 : index
    %get3A_40 = arith.constant 0 : index
    %get3A_41 = vector.load %arg4[%get3A_38, %get3A_39, %get3A_40] : memref<2x64x8xf32, #tpu.memory_space<vmem>>, vector<1x64x8xf32>
    %get3A_42 = vector.shape_cast %get3A_41 : vector<1x64x8xf32> to vector<64x8xf32>
    %dot_general3A_43 = arith.constant dense<0.000000e+00> : vector<2048x8xf32>
    %dot_general3A_44 = tpu.matmul %max3A_18, %get3A_42, %dot_general3A_43 {dimension_numbers = #tpu.dot_dimension_numbers<[1], [0], [0], [1], [0, 0, 1, 1], [], []>, transpose_lhs_hint = false} : vector<2048x64xf32>, vector<64x8xf32>, vector<2048x8xf32> -> vector<2048x8xf32>
    %get3A_45 = arith.constant 1 : index
    %get3A_46 = arith.constant 0 : index
    %get3A_47 = arith.constant 0 : index
    %get3A_48 = vector.load %arg6[%get3A_45, %get3A_46, %get3A_47] : memref<2x1x8xf32, #tpu.memory_space<vmem>>, vector<1x1x8xf32>
    %get3A_49 = vector.shape_cast %get3A_48 : vector<1x1x8xf32> to vector<1x8xf32>
    %add3A_50 = vector.broadcast %get3A_49 : vector<1x8xf32> to vector<2048x8xf32>
    %add3A_51 = arith.addf %dot_general3A_44, %add3A_50 : vector<2048x8xf32>
    %swap3A_52 = arith.constant 1 : index
    %swap3A_53 = arith.constant 0 : index
    %swap3A_54 = arith.constant 0 : index
    %swap3A_55 = arith.constant 0 : index
    %swap3A_56 = vector.load %arg7[%swap3A_52, %swap3A_53, %swap3A_54, %swap3A_55] : memref<2x2x2048x8xf32, #tpu.memory_space<vmem>>, vector<1x1x2048x8xf32>
    %swap3A_57 = vector.shape_cast %swap3A_56 : vector<1x1x2048x8xf32> to vector<2048x8xf32>
    %swap3A_58 = vector.shape_cast %add3A_51 : vector<2048x8xf32> to vector<1x1x2048x8xf32>
    tpu.vector_store %arg7[%swap3A_52, %swap3A_53, %swap3A_54, %swap3A_55], %swap3A_58 {strides = array<i32>} : memref<2x2x2048x8xf32, #tpu.memory_space<vmem>>, vector<1x1x2048x8xf32>,
    %get3A_59 = arith.constant 0 : index
    %get3A_60 = arith.constant 0 : index
    %get3A_61 = arith.constant 0 : index
    %get3A_62 = vector.load %arg5[%get3A_59, %get3A_60, %get3A_61] : memref<2x64x8xf32, #tpu.memory_space<vmem>>, vector<1x64x8xf32>
    %get3A_63 = vector.shape_cast %get3A_62 : vector<1x64x8xf32> to vector<64x8xf32>
    %dot_general3A_64 = arith.constant dense<0.000000e+00> : vector<2048x8xf32>
    %dot_general3A_65 = tpu.matmul %max3A_18, %get3A_63, %dot_general3A_64 {dimension_numbers = #tpu.dot_dimension_numbers<[1], [0], [0], [1], [0, 0, 1, 1], [], []>, transpose_lhs_hint = false} : vector<2048x64xf32>, vector<64x8xf32>, vector<2048x8xf32> -> vector<2048x8xf32>
    %swap3A_66 = arith.constant 0 : index
    %swap3A_67 = arith.constant 1 : index
    %swap3A_68 = arith.constant 0 : index
    %swap3A_69 = arith.constant 0 : index
    %swap3A_70 = vector.load %arg7[%swap3A_66, %swap3A_67, %swap3A_68, %swap3A_69] : memref<2x2x2048x8xf32, #tpu.memory_space<vmem>>, vector<1x1x2048x8xf32>
    %swap3A_71 = vector.shape_cast %swap3A_70 : vector<1x1x2048x8xf32> to vector<2048x8xf32>
    %swap3A_72 = vector.shape_cast %dot_general3A_65 : vector<2048x8xf32> to vector<1x1x2048x8xf32>
    tpu.vector_store %arg7[%swap3A_66, %swap3A_67, %swap3A_68, %swap3A_69], %swap3A_72 {strides = array<i32>} : memref<2x2x2048x8xf32, #tpu.memory_space<vmem>>, vector<1x1x2048x8xf32>,
    %get3A_73 = arith.constant 1 : index
    %get3A_74 = arith.constant 0 : index
    %get3A_75 = arith.constant 0 : index
    %get3A_76 = vector.load %arg5[%get3A_73, %get3A_74, %get3A_75] : memref<2x64x8xf32, #tpu.memory_space<vmem>>, vector<1x64x8xf32>
    %get3A_77 = vector.shape_cast %get3A_76 : vector<1x64x8xf32> to vector<64x8xf32>
    %dot_general3A_78 = arith.constant dense<0.000000e+00> : vector<2048x8xf32>
    %dot_general3A_79 = tpu.matmul %max3A_18, %get3A_77, %dot_general3A_78 {dimension_numbers = #tpu.dot_dimension_numbers<[1], [0], [0], [1], [0, 0, 1, 1], [], []>, transpose_lhs_hint = false} : vector<2048x64xf32>, vector<64x8xf32>, vector<2048x8xf32> -> vector<2048x8xf32>
    %swap3A_80 = arith.constant 1 : index
    %swap3A_81 = arith.constant 1 : index
    %swap3A_82 = arith.constant 0 : index
    %swap3A_83 = arith.constant 0 : index
    %swap3A_84 = vector.load %arg7[%swap3A_80, %swap3A_81, %swap3A_82, %swap3A_83] : memref<2x2x2048x8xf32, #tpu.memory_space<vmem>>, vector<1x1x2048x8xf32>
    %swap3A_85 = vector.shape_cast %swap3A_84 : vector<1x1x2048x8xf32> to vector<2048x8xf32>
    %swap3A_86 = vector.shape_cast %dot_general3A_79 : vector<2048x8xf32> to vector<1x1x2048x8xf32>
    tpu.vector_store %arg7[%swap3A_80, %swap3A_81, %swap3A_82, %swap3A_83], %swap3A_86 {strides = array<i32>} : memref<2x2x2048x8xf32, #tpu.memory_space<vmem>>, vector<1x1x2048x8xf32>,
    return
  }
  func.func @transform_0(%arg0: i32) -> (i32, i32) {
    %c0_i32 = arith.constant 0 : i32
    %c0_i32_0 = arith.constant 0 : i32
    return %arg0, %c0_i32 : i32, i32
  }
  func.func @transform_1(%arg0: i32) -> (i32, i32, i32) {
    %c0_i32 = arith.constant 0 : i32
    %c0_i32_0 = arith.constant 0 : i32
    %c0_i32_1 = arith.constant 0 : i32
    return %c0_i32, %arg0, %c0_i32_0 : i32, i32, i32
  }
  func.func @transform_2(%arg0: i32) -> (i32, i32) {
    %c0_i32 = arith.constant 0 : i32
    %c0_i32_0 = arith.constant 0 : i32
    %c0_i32_1 = arith.constant 0 : i32
    return %c0_i32, %c0_i32_0 : i32, i32
  }
  func.func @transform_3(%arg0: i32) -> (i32, i32, i32) {
    %c0_i32 = arith.constant 0 : i32
    %c0_i32_0 = arith.constant 0 : i32
    %c0_i32_1 = arith.constant 0 : i32
    %c0_i32_2 = arith.constant 0 : i32
    return %c0_i32, %c0_i32_0, %c0_i32_1 : i32, i32, i32
  }
  func.func @transform_4(%arg0: i32) -> (i32, i32, i32) {
    %c0_i32 = arith.constant 0 : i32
    %c0_i32_0 = arith.constant 0 : i32
    %c0_i32_1 = arith.constant 0 : i32
    %c0_i32_2 = arith.constant 0 : i32
    return %c0_i32, %c0_i32_0, %c0_i32_1 : i32, i32, i32
  }
  func.func @transform_5(%arg0: i32) -> (i32, i32, i32) {
    %c0_i32 = arith.constant 0 : i32
    %c0_i32_0 = arith.constant 0 : i32
    %c0_i32_1 = arith.constant 0 : i32
    %c0_i32_2 = arith.constant 0 : i32
    return %c0_i32, %c0_i32_0, %c0_i32_1 : i32, i32, i32
  }
  func.func @transform_6(%arg0: i32) -> (i32, i32, i32, i32) {
    %c0_i32 = arith.constant 0 : i32
    %c0_i32_0 = arith.constant 0 : i32
    %c0_i32_1 = arith.constant 0 : i32
    %c0_i32_2 = arith.constant 0 : i32
    return %c0_i32, %c0_i32_0, %arg0, %c0_i32_1 : i32, i32, i32, i32
  }
}

</mosaic_0001>

<sc_bundles>
// kernel: kernel.10.cloned.1.call-start
scs
__scs_entry_jumppad:
0x0: {  	(pc) =	sbr.rel $0x88, $3  }
0x1: {  	(tag) =	ssettag $0x0;
	lr =	simm.s32 $0x1  }
0x2: {  	[smem:$0x3F9B] =	sst lr;
	_ =	strace $0xD0000000  }
0x3: {  	_ = 	snop  }
0x4: {  	_ = 	snop  }
0x5: {  	_ = 	snop  }
0x6: {  	_ = 	snop  }
0x7: {  	_ = 	snop  }
__scs_overlays_trampoline_lowered:
0x8: {  	[smem:$0x3FAA] =	sst s0  }
0x9: {  	[smem:$0x3FAB] =	sst s1  }
0xa: {  	[smem:$0x3FAC] =	sst s2  }
0xb: {  	[smem:$0x3FAD] =	sst s3  }
0xc: {  	[smem:$0x3FAE] =	sst s4  }
0xd: {  	[smem:$0x3FAF] =	sst s5  }
0xe: {  	[smem:$0x3FB0] =	sst s6  }
0xf: {  	[smem:$0x3FB1] =	sst s7  }
0x10: {  	[smem:$0x3FB2] =	sst s8  }
0x11: {  	[smem:$0x3FB3] =	sst s9;
	s0 =	simm.s32 @!p0 $0x0  }
0x12: {  	s1 =	sld [smem:$0x3F99];
	s0 =	simm.s32 @p0 $0x1  }
0x13: {  	[smem:$0x3FB4] =	sst s0;
	s0 =	simm.s32 @!p1 $0x0  }
0x14: {  	s2 =	sld [smem:$0x3F98];
	s0 =	simm.s32 @p1 $0x1  }
0x15: {  	[smem:$0x3FB5] =	sst s0;
	s0 =	simm.s32 @!p2 $0x0  }
0x16: {  	s3 =	sld [smem:$0x3FDB];
	s0 =	simm.s32 @p2 $0x1  }
0x17: {  	s4 =	simm.s32 $0x1BF5;
	[smem:$0x3FB7] =	sst s0  }
0x18: {  	s0 =	sld [smem:$0x3F9A];
	_ =	swait.ge [sflag:s4], $0x0  }
0x19: {  	s7 =	sld [smem:$0x3F9B]  }
0x1a: {  	s8 =	sadd.s32 $0xFFFFE003, lr  }
0x1b: {  	s9 =	sadd.s32 $0xFFFFFEF7, lr;
	s5 =	simm.s32 $0xFFFFFFFF;
	p2 =	slt.u32 s8, $0xFFFFF086  }
0x1c: {  	p1 =	slt.u32 s9, $0xF7A;
	s5 =	simm.s32 @!p2 $0x0  }
0x1d: {  	s5 =	simm.s32 @p1 $0x1;
	p0 =	seq.s32 s7, s2  }
0x1e: {  	s7 =	smul.u32 @!p0 $0xF7A, s2;
	p2 =	seq.s32 @!p0 s5, $0x0  }
0x1f: {  	s9 =	smul.u32 $0xF7A, s1;
	s8 =	simm.s32 @!p0 $0x1BF5;
	p2 =	por !p2, p0  }
0x20: {  	[sflag:s8] =	ssyncset.s32 @!p0 $0xFFFFF086;
	s6 =	sadd.s32 @!p0 s3, s7;
	s7 =	simm.s32 @!p0 $0x108  }
0x21: {  	s3 =	sadd.s32 s3, s9;
	s6 =	sadd.s32 @!p0 $0x88, s6;
	s7 =	simm.s32 @p2 $0x1082  }
0x22: {  	[simem:s7], [sflag:s8] =	dma.local @!p0 [hbm:s6], $0xF7A  }
0x23: {  	s9 =	sor.u32 $0xD0000000, s2;
	s6 =	simm.s32 $0x108;
	_ =	swait.ge @!p0 [sflag:s8], $0x0  }
0x24: {  	s3 =	sadd.s32 $0x88, s3;
	s6 =	simm.s32 @!p1 $0x1082;
	[sflag:s4] =	ssyncset.s32 $0xFFFFF086  }
0x25: {  	[simem:s6], [sflag:s4] =	dma.local [hbm:s3], $0xF7A  }
0x26: {  	[smem:$0x3F9B] =	sst s1;
	(tag) =	ssettag s2;
	_ =	strace s9  }
0x27: {  	s1 =	sld [smem:$0x3FAB]  }
0x28: {  	s2 =	sld [smem:$0x3FAC]  }
0x29: {  	s4 =	sld [smem:$0x3FAE]  }
0x2a: {  	p0 =	seq.s32 s5, $0x0;
	s5 =	sld [smem:$0x3FAF]  }
0x2b: {  	s6 =	sld [smem:$0x3FB0]  }
0x2c: {  	s7 =	sld [smem:$0x3FB1]  }
0x2d: {  	s3 =	simm.s32 $0x108;
	s8 =	sld [smem:$0x3FB2]  }
0x2e: {  	s3 =	simm.s32 @!p0 $0x1082;
	s9 =	sld [smem:$0x3FB3]  }
0x2f: {  	lr =	sadd.s32 s0, s3;
	s0 =	sld [smem:$0x3FAA]  }
0x30: {  	s3 =	sld [smem:$0x3FAD]  }
0x31: {  	[smem:$0x3FB6] =	sst s10  }
0x32: {  	s10 =	sld [smem:$0x3FB4];
	_ =	sdelay $0x3  }
0x33: {  	p0 =	seq.s32 s10, $0x1;
	s10 =	sld [smem:$0x3FB6];
	_ =	sdelay $0x3  }
0x34: {  	[smem:$0x3FB6] =	sst s10  }
0x35: {  	s10 =	sld [smem:$0x3FB5];
	_ =	sdelay $0x3  }
0x36: {  	p1 =	seq.s32 s10, $0x1;
	s10 =	sld [smem:$0x3FB6];
	_ =	sdelay $0x3  }
0x37: {  	[smem:$0x3FB6] =	sst s10  }
0x38: {  	s10 =	sld [smem:$0x3FB7]  }
0x39: {  	_ = 	snop;
	(pc) =	sbr.ind lr, $3  }
0x3a: {  	_ = 	snop  }
0x3b: {  	_ = 	snop  }
0x3c: {  	p2 =	seq.s32 s10, $0x1;
	s10 =	sld [smem:$0x3FB6]  }
0x3d: {  	_ =	shalt  }
0x3e: {  	_ =	shalt  }
0x3f: {  	_ =	shalt  }
0x40: {  	_ =	shalt  }
0x41: {  	_ =	shalt  }
0x42: {  	_ =	shalt  }
0x43: {  	_ =	shalt  }
0x44: {  	_ =	shalt  }
0x45: {  	_ =	shalt  }
0x46: {  	_ =	shalt  }
0x47: {  	_ =	shalt  }
0x48: {  	_ =	shalt  }
0x49: {  	_ =	shalt  }
0x4a: {  	_ =	shalt  }
0x4b: {  	_ =	shalt  }
0x4c: {  	_ =	shalt  }
0x4d: {  	_ =	shalt  }
0x4e: {  	_ =	shalt  }
0x4f: {  	_ =	shalt  }
0x50: {  	_ =	shalt  }
0x51: {  	_ =	shalt  }
0x52: {  	_ =	shalt  }
0x53: {  	_ =	shalt  }
0x54: {  	_ =	shalt  }
0x55: {  	_ =	shalt  }
0x56: {  	_ =	shalt  }
0x57: {  	_ =	shalt  }
0x58: {  	_ =	shalt  }
0x59: {  	_ =	shalt  }
0x5a: {  	_ =	shalt  }
0x5b: {  	_ =	shalt  }
0x5c: {  	_ =	shalt  }
0x5d: {  	_ =	shalt  }
0x5e: {  	_ =	shalt  }
0x5f: {  	_ =	shalt  }
0x60: {  	_ =	shalt  }
0x61: {  	_ =	shalt  }
0x62: {  	_ =	shalt  }
0x63: {  	_ =	shalt  }
0x64: {  	_ =	shalt  }
0x65: {  	_ =	shalt  }
0x66: {  	_ =	shalt  }
0x67: {  	_ =	shalt  }
0x68: {  	_ =	shalt  }
0x69: {  	_ =	shalt  }
0x6a: {  	_ =	shalt  }
0x6b: {  	_ =	shalt  }
0x6c: {  	_ =	shalt  }
0x6d: {  	_ =	shalt  }
0x6e: {  	_ =	shalt  }
0x6f: {  	_ =	shalt  }
0x70: {  	_ =	shalt  }
0x71: {  	_ =	shalt  }
0x72: {  	_ =	shalt  }
0x73: {  	_ =	shalt  }
0x74: {  	_ =	shalt  }
0x75: {  	_ =	shalt  }
0x76: {  	_ =	shalt  }
0x77: {  	_ =	shalt  }
0x78: {  	_ =	shalt  }
0x79: {  	_ =	shalt  }
0x7a: {  	_ =	shalt  }
0x7b: {  	_ =	shalt  }
0x7c: {  	_ =	shalt  }
0x7d: {  	_ =	shalt  }
0x7e: {  	_ =	shalt  }
0x7f: {  	_ =	shalt  }
0x80: {  	_ =	shalt  }
0x81: {  	_ =	shalt  }
0x82: {  	_ =	shalt  }
0x83: {  	_ =	shalt  }
0x84: {  	_ =	shalt  }
0x85: {  	_ =	shalt  }
0x86: {  	_ =	shalt  }
0x87: {  	_ =	shalt  }
.Lfunc_end0:
.L_simem_size_0:
called_computation.1_lowered:
.L_overlay_start_0:
0x88: {  	s2 =	sld [smem:$0x3FD9]  }
0x89: {  	s3 =	sld [smem:$0x3FFE];
	_ =	sdelay $0x1  }
0x8a: {  	s1 =	srdreg.scid  }
0x8b: {  	s0 =	sand.u32 $0x1, s1  }
0x8c: {  	s17 =	sshll.u32 s0, $0xA;
	s2 =	sadd.s32 s3, s2  }
0x8d: {  	s2 =	sadd.s32 s2, s17  }
0x8e: {  	[smem:$0x3FC2] =	sst s2  }
0x8f: {  	_ = 	snop  }
0x90: {  	s2 =	sld [smem:$0x3FC8];
	(tm) =	ssettm $0x1  }
0x91: {  	s18 =	sld [smem:$0x3FFB];
	_ =	sdelay $0x3  }
0x92: {  	_ =	strace s18  }
0x93: {  	s3 =	sld [smem:$0x3FFC];
	_ =	sdelay $0x3  }
0x94: {  	_ =	strace s3  }
0x95: {  	s3 =	sld [smem:$0x3FFD];
	_ =	sdelay $0x3  }
0x96: {  	_ =	strace s3  }
0x97: {  	_ =	strace $0x8FFFFFFF  }
0x98: {  	s19 =	sld [smem:$0x3FDB];
	_ =	sdelay $0x1  }
0x99: {  	s4 =	simm.s32 $_scs_section_size  }
0x9a: {  	s5 =	simm.s32 $_size__tile_overlayer_lowered;
	s6 =	simm.s32 $_tile_overlayer_lowered  }
0x9b: {  	s22 =	simm.s32 $0x1BFF;
	s21 =	sshll.u32 s6, $0x1;
	s3 =	sadd.s32 s4, s19  }
0x9c: {  	s7 =	simm.s32 $0x0;
	s20 =	sshll.u32 s5, $0x1;
	s5 =	sadd.s32 s21, s3  }
0x9d: {  	[timem:s7], [sflag:s22] =	dma.local [hbm:s5], s20  }
0x9e: {  	_ =	swait.ge [sflag:s22], s20  }
0x9f: {  	s4 =	ssub.s32 $0x0, s20;
	[sflag:s22] =	ssyncset.done $0x0  }
0xa0: {  	[sflag:s22] =	ssyncadd.s32 s4;
	_ =	sdelay $0x1  }
0xa1: {  	s23 =	simm.s32 $0x1B8B  }
0xa2: {  	_ =	swait.ge [sflag:s23], $0x1  }
0xa3: {  	[sflag:s23] =	ssyncset.done $0x0  }
0xa4: {  	s25 =	simm.s32 $0x1B8E;
	s24 =	sld [smem:$0x3FFE];
	[sflag:s23] =	ssyncadd.s32 $0xFFFFFFFF  }
0xa5: {  	s26 =	simm.s32 $execute0_lowered;
	[smem:$0x3FD2] =	sst s25  }
0xa6: {  	s5 =	sshll.u32 s26, $0x1;
	_ =	strace $0x80000049;
	[dreg:$0x1] =	wrdreg $0xFFFFFFFF  }
0xa7: {  	s28 =	simm.s32 $_size_execute0_lowered;
	s3 =	sadd.s32 s3, s5;
	[dreg:$0x0] =	wrdreg $0x0  }
0xa8: {  	s5 =	sshll.u32 s28, $0x1;
	[dreg:$0x2] =	wrdreg s3  }
0xa9: {  	[dreg:$0x3] =	wrdreg s5  }
0xaa: {  	[dreg:$0x4] =	wrdreg $0xC0  }
0xab: {  	_ =	task [dreg:s7], $0x5FFFF  }
0xac: {  	[dreg:$0x1] =	wrdreg $0xFFFFFFFF  }
0xad: {  	[dreg:$0x0] =	wrdreg $0x60  }
0xae: {  	[dreg:$0x2] =	wrdreg s24  }
0xaf: {  	[dreg:$0x3] =	wrdreg s2  }
0xb0: {  	[dreg:$0x4] =	wrdreg $0xA8000  }
0xb1: {  	[dreg:$0x5] =	wrdreg $0xBC000  }
0xb2: {  	[dreg:$0x6] =	wrdreg $0x9  }
0xb3: {  	_ =	task.clear_ibuf [dreg:s7], $0x7FFFF;
	_ =	strace $0x90000049  }
0xb4: {  	s29 =	simm.s32 $0x9;
	_ =	strace $0x8000004B  }
0xb5: {  	_ =	swait.ge [sflag:s29], $0x1  }
0xb6: {  	[sflag:s29] =	ssyncadd.s32 $0xFFFFFFFF  }
0xb7: {  	_ =	strace $0x9000004B  }
0xb8: {  	_ =	sfence  }
0xb9: {  	s30 =	sld [smem:$0x0];
	_ =	sdelay $0x2  }
0xba: {  	s31 =	sshll.u32 s1, $0xD;
	s1 =	sshrl.u32 s1, $0x2  }
0xbb: {  	s3 =	sand.u32 $0x4000, s31;
	s1 =	sadd.s32 s1, s30  }
0xbc: {  	s0 =	sor.u32 s3, s0;
	s1 =	sshll.u32 s1, $0x11  }
0xbd: {  	s0 =	sor.u32 s1, s0  }
0xbe: {  	s0 =	sadd.s32 $0x8F2B, s0  }
0xbf: {  	[sflag:s0] =	ssyncadd.remote.s32 $0x1  }
0xc0: {  	_ =	sfence.sel $0xFFFF  }
0xc1: {  	[dreg:$0x0] =	wrdreg $0xFFFFFFFF;
	(pc) =	sbr.abs _section_cstart, $3  }
0xc2: {  	[dreg:$0x1] =	wrdreg $0xFFFFFFFF  }
0xc3: {  	_ =	task.clear_ibuf [dreg:s7], $0x2FFFF;
	_ =	strace $0x9FFFFFFF  }
0xc4: {  	(tm) =	ssettm $0x7FFFFFFF  }
0xc5: {  	_ =	shalt  }
tec
execute0_lowered:
.L_overlay_start_1:
0x0: {  	(tag) =	ssettag $0x1  }
0x1: {  	s5 =	rddreg [dreg:$0x0]  }
0x2: {  	s9 =	rddreg [dreg:$0x1]  }
0x3: {  	s2 =	rddreg [dreg:$0x2]  }
0x4: {  	s1 =	srdreg.scid;
	s0 =	stileid.u32  }
0x5: {  	s3 =	rddreg [dreg:$0x3];
	s4 =	simm.s32 $0x0;
	s17 =	simm.s32 $0x80  }
0x6: {  	s18 =	simm.s32 $0xA000;
	s19 =	simm.s32 $0x2;
	s8 =	smul.u32 $0x1400, s0  }
0x7: {  	s20 =	simm.s32 $0x9F80;
	s23 =	simm.s32 $0x0;
	s10 =	smul.u32 $0xA0, s0  }
0x8: {  	s21 =	sand.u32 $0x1, s1;
	[smem:$0x7FF] =	sst s4;
	s29 =	smul.u32 $0x28000, s0  }
0x9: {  	s28 =	sshll.u32 s0, $0x6;
	s6 =	smul.u32 $0x28000, s21;
	_ =	strace $0x8000004A  }
0xa: {  	s7 =	ssub.s32 $0x2, s21;
	p1 =	sne.s32 s21, $0x0;
	s21 =	simm.s32 $0xA400  }
0xb: {  	s26 =	sshrl.u32 s8, $0x3;
	s12 =	sshrl.u32 s7, $0x1;
	s14 =	smin.u32 s10, $0x924  }
0xc: {  	s22 =	sadd.s32 s8, s2;
	s16 =	sadd.s32 s8, s3;
	s6 =	sadd.s32 s8, s6  }
0xd: {  	s13 =	sadd.s32 s26, s5;
	s12 =	ssub.s32 s7, s12;
	s7 =	sor.u32 $0x1C03, s28  }
0xe: {  	s30 =	sshll.u32 s14, $0xA;
	s16 =	sshrl.u32 s16, $0x3;
	s6 =	sshrl.u32 s6, $0x3  }
0xf: {  	s12 =	smax.u32 s12, $0x1;
	s11 =	sadd.s32 s6, s5;
	s5 =	ssub.s32 s10, s14  }
.Ltmp0:
0x10: {  	s14 =	sshll.u32 s14, $0x5;
	s6 =	sadd.s32 $0xA1800, s11;
	(pc) =	sbr.rel .LBB2_1-.Ltmp0, $4  }
0x11: {  	s8 =	sadd.s32 $0xA4000, s11;
	s15 =	sshll.u32 s5, $0xA;
	s11 =	ssub.s32 s29, s30  }
0x12: {  	s9 =	sadd.s32 s9, s14;
	p0 =	sgt.u32 s5, $0x9F;
	s14 =	sshrl.u32 s22, $0x3  }
0x13: {  	s22 =	sshrl.u32 @!p1 s22, $0x3;
	s10 =	sshra.s32 s15, $0x2;
	s31 =	sor.u32 $0x200, s11  }
0x14: {  	s11 =	sadd.s32 $0x1800, s13;
	s15 =	simm.s32 $0x3;
	s13 =	sshra.s32 s31, $0x2  }
.LBB2_3:
0x15: {  	s24 =	smov.u32 s5;
	s25 =	smov.u32 s13  }
.LBB2_6:
0x16: {  	s0 =	simm.s32 @!p2 $0x80;
	_ =	swait.ge @p3 [sflag:s15], $0x400;
	s1 =	sshll.u32 @!p2 s29, $0xA  }
0x17: {  	s28 =	sadd.s32 @!p2 $0x1, s29;
	s24 =	sand.u32 $0x1, s24;
	[sflag:s15] =	ssyncset.done @p3 $0x0  }
0x18: {  	s1 =	sor.u32 @!p2 $0xA000, s1;
	s30 =	sadd.s32 $0x1, s24;
	[sflag:s15] =	ssyncadd.s32 @p3 $0xFFFFFC00  }
0x19: {  	[tilespmem:s1], [sflag:s28] =	stream.indirect.gather @!p2 [spmem:s3], $0x8, s26, s0, $0xb8;
	[tilespmem:$0xD000] =	vst v63  }
0x1a: {  	_ =	swait.ge [sflag:s30], $0x400  }
0x1b: {  	s31 =	sshll.u32 s24, $0xA;
	[sflag:s30] =	ssyncset.done $0x0  }
0x1c: {  	s1 =	sor.u32 $0xA000, s31;
	[sflag:s30] =	ssyncadd.s32 $0xFFFFFC00  }
0x1d: {  	[spmem:s2] =	stream.indirect.scatter.add.f32 [tilespmem:s1], [sflag:$0x3], $0x8, s25, s17, $0xb8;
	[tilespmem:$0xD000] =	vst v63  }
0x1e: {  	_ =	swait.ge [sflag:s15], $0x400  }
0x1f: {  	[sflag:s15] =	ssyncset.done $0x0  }
0x20: {  	[sflag:s15] =	ssyncadd.s32 $0xFFFFFC00  }
0x21: {  	_ =	swait.ge [sflag:s19], $0x400  }
0x22: {  	[sflag:s19] =	ssyncset.done $0x0  }
0x23: {  	[sflag:s19] =	ssyncadd.s32 $0xFFFFFC00  }
0x24: {  	[spmem:s2] =	stream.indirect.scatter.add.f32 [tilespmem:s21], [sflag:$0x3], $0x8, s20, s17, $0xb8;
	[tilespmem:$0xD000] =	vst v63  }
0x25: {  	_ =	swait.ge [sflag:s15], $0x400  }
0x26: {  	[sflag:s15] =	ssyncset.done $0x0  }
0x27: {  	[sflag:s15] =	ssyncadd.s32 $0xFFFFFC00  }
.LBB2_7:
0x28: {  	s23 =	sadd.s32 $0x1, s23  }
0x29: {  	p2 =	sne.s32 s23, s12  }
.Ltmp1:
0x2a: {  	[bflag:$0x0] =	sbarrier.arrive $0xFFFF;
	s0 =	simm.s32 @!p1 $0x3;
	(pc) =	sbr.rel @!p2 .LBB2_8-.Ltmp1, $4  }
0x2b: {  	[hbm:s11], [sflag:s7] =	dma.local @!p1 [spmem:s22], $0x280  }
0x2c: {  	_ =	swait.ge @!p1 [sflag:s0], $0x280  }
0x2d: {  	[sflag:s0] =	ssyncset.done @!p1 $0x0  }
0x2e: {  	[sflag:s0] =	ssyncadd.s32 @!p1 $0xFFFFFD80  }
.LBB2_1:
0x2f: {  	[spmem:s14], [sflag:s7] =	dma.local [hbm:s6], $0x280  }
0x30: {  	_ =	swait.ge [sflag:s15], $0x280  }
0x31: {  	[sflag:s15] =	ssyncset.done $0x0  }
0x32: {  	[sflag:s15] =	ssyncadd.s32 $0xFFFFFD80  }
0x33: {  	[spmem:s16], [sflag:s7] =	dma.local [hbm:s8], $0x280  }
0x34: {  	_ =	swait.ge [sflag:s15], $0x280  }
0x35: {  	[sflag:s15] =	ssyncset.done $0x0  }
0x36: {  	[sflag:s15] =	ssyncadd.s32 $0xFFFFFD80  }
0x37: {  	[tilespmem:s4], [sflag:$0x3] =	stream.linear.gather [hbm4b:s9+s4], $0xA000, $0x38;
	[tilespmem:$0xD000] =	vst v63  }
.Ltmp2:
0x38: {  	_ =	swait.ge [sflag:s15], $0xA000;
	(pc) =	sbr.rel @p0 .LBB2_7-.Ltmp2, $4  }
0x39: {  	[sflag:s15] =	ssyncset.done $0x0  }
0x3a: {  	[sflag:s15] =	ssyncadd.s32 $0xFFFF6000  }
0x3b: {  	[bflag:$0x0] =	sbarrier.arrive $0xFFFF  }
0x3c: {  	[tilespmem:s18], [sflag:$0x1] =	stream.indirect.gather [spmem:s3], $0x8, s10, s17, $0xb8;
	[tilespmem:$0xD000] =	vst v63  }
0x3d: {  	s24 =	sadd.s32 $0x1, s5  }
0x3e: {  	p4 =	sne.s32 s24, $0x9F  }
.Ltmp3:
0x3f: {  	_ = 	snop;
	(pc) =	sbr.rel @!p4 .LBB2_3-.Ltmp3, $3  }
0x40: {  	_ =	sdelay $0x1  }
0x41: {  	p2 =	seq.s32 s5, $0x9F  }
0x42: {  	p3 =	por $0x0, $0x0;
	s29 =	sand.u32 @!p2 $0x1, s24;
	s26 =	sadd.s32 @!p2 $0x80, s13  }
0x43: {  	s28 =	sshll.u32 @!p2 s29, $0xA  }
0x44: {  	s25 =	simm.s32 @!p2 $0x80;
	s29 =	sadd.s32 @!p2 $0x1, s29;
	s28 =	sor.u32 @!p2 $0xA000, s28  }
0x45: {  	[tilespmem:s28], [sflag:s29] =	stream.indirect.gather @!p2 [spmem:s3], $0x8, s26, s25, $0xb8;
	[tilespmem:$0xD000] =	vst v63  }
0x46: {  	s30 =	sand.u32 $0x1, s5;
	s28 =	sadd.s32 $0x1, s24  }
0x47: {  	s1 =	sadd.s32 $0x1, s30;
	p4 =	sne.s32 s28, $0x9F  }
.Ltmp4:
0x48: {  	s31 =	sshll.u32 s30, $0xA;
	_ =	swait.ge [sflag:s1], $0x400;
	(pc) =	sbr.rel @!p4 .LBB2_6-.Ltmp4, $4  }
0x49: {  	s26 =	sor.u32 $0xA000, s31;
	[sflag:s1] =	ssyncset.done $0x0  }
0x4a: {  	s25 =	sadd.s32 $0x100, s13;
	p2 =	seq.s32 s24, $0x9F;
	[sflag:s1] =	ssyncadd.s32 $0xFFFFFC00  }
0x4b: {  	[spmem:s2] =	stream.indirect.scatter.add.f32 [tilespmem:s26], [sflag:$0x3], $0x8, s13, s17, $0xb8;
	[tilespmem:$0xD000] =	vst v63  }
0x4c: {  	p3 =	por $0x1, $0x1;
	s29 =	sand.u32 @!p2 $0x1, s28;
	s26 =	sadd.s32 @!p2 $0x80, s25  }
.LBB2_5:
0x4d: {  	s30 =	simm.s32 @!p2 $0x80  }
0x4e: {  	_ =	swait.ge [sflag:s15], $0x400;
	s31 =	smov.u32 s24;
	s24 =	smov.u32 s28  }
0x4f: {  	s28 =	sadd.s32 $0x1, s28;
	s1 =	smov.u32 s25;
	s0 =	sshll.u32 @!p2 s29, $0xA  }
0x50: {  	s29 =	sadd.s32 @!p2 $0x1, s29;
	[sflag:s15] =	ssyncset.done $0x0;
	s0 =	sor.u32 @!p2 $0xA000, s0  }
0x51: {  	s31 =	sand.u32 $0x1, s31;
	p4 =	sne.s32 s28, $0x9F;
	[sflag:s15] =	ssyncadd.s32 $0xFFFFFC00  }
0x52: {  	[tilespmem:s0], [sflag:s29] =	stream.indirect.gather @!p2 [spmem:s3], $0x8, s26, s30, $0xb8;
	[tilespmem:$0xD000] =	vst v63  }
.Ltmp5:
0x53: {  	s0 =	sshll.u32 s31, $0xA;
	s30 =	sadd.s32 $0x1, s31;
	(pc) =	sbr.rel @p4 .LBB2_5-.Ltmp5, $4  }
0x54: {  	s25 =	sadd.s32 $0x100, s25;
	_ =	swait.ge [sflag:s30], $0x400  }
0x55: {  	p2 =	seq.s32 s24, $0x9F;
	s0 =	sor.u32 $0xA000, s0;
	[sflag:s30] =	ssyncset.done $0x0  }
0x56: {  	s29 =	sand.u32 @!p2 $0x1, s28;
	s26 =	sadd.s32 @!p2 $0x80, s25;
	[sflag:s30] =	ssyncadd.s32 $0xFFFFFC00  }
0x57: {  	[spmem:s2] =	stream.indirect.scatter.add.f32 [tilespmem:s0], [sflag:$0x3], $0x8, s1, s17, $0xb8;
	[tilespmem:$0xD000] =	vst v63  }
.Ltmp6:
0x58: {  	_ = 	snop;
	(pc) =	sbr.rel .LBB2_6-.Ltmp6, $1  }
0x59: {  	_ =	sdelay $0x3  }
.LBB2_8:
0x5a: {  	_ =	sfence.sel $0x180000  }
0x5b: {  	[bflag:$0x0] =	sbarrier.arrive $0xFFFF  }
0x5c: {  	_ =	strace $0x9000004A  }
0x5d: {  	s0 =	stileid.u32;
	[bflag:$0x2] =	sbarrier.arrive $0xFFFF  }
0x5e: {  	p0 =	sne.s32 s0, $0x0;
	s0 =	rddreg [dreg:$0x4]  }
0x5f: {  	s0 =	sadd.s32 @!p0 $0x100000, s0  }
0x60: {  	[sflag:s0] =	ssyncadd.tile.s32 @!p0 $0x1;
	_ =	shalt  }
.Lfunc_end2:
_tile_overlayer_lowered:
.L_overlay_start_2:
0x61: {  	(tag) =	ssettag $0x2  }
0x62: {  	s0 =	rddreg [dreg:$0x0];
	s2 =	stileid.u32  }
0x63: {  	s1 =	rddreg [dreg:$0x1];
	p0 =	sne.s32 s2, $0x0  }
0x64: {  	s3 =	rddreg [dreg:$0x2];
	[bflag:$0x3] =	sbarrier.arrive $0xFFFF;
	s2 =	simm.s32 @!p0 $0x1C03  }
0x65: {  	[timem:s3], [sflag:s2] =	dma.local @!p0 [hbm:s0], s1  }
0x66: {  	s0 =	simm.s32 @!p0 $0x3  }
0x67: {  	_ =	swait.ge @!p0 [sflag:s0], s1  }
0x68: {  	s1 =	ssub.s32 @!p0 $0x0, s1;
	[sflag:s0] =	ssyncset.done @!p0 $0x0  }
0x69: {  	[sflag:s0] =	ssyncadd.s32 @!p0 s1  }
0x6a: {  	[bflag:$0x3] =	sbarrier.arrive $0xFFFF  }
0x6b: {  	_ =	shalt  }

// kernel: kernel.7.cloned.1.call-start
scs
__scs_entry_jumppad:
0x0: {  	(pc) =	sbr.rel $0x88, $3  }
0x1: {  	(tag) =	ssettag $0x0;
	lr =	simm.s32 $0x1  }
0x2: {  	[smem:$0x3F9B] =	sst lr;
	_ =	strace $0xD0000000  }
0x3: {  	_ = 	snop  }
0x4: {  	_ = 	snop  }
0x5: {  	_ = 	snop  }
0x6: {  	_ = 	snop  }
0x7: {  	_ = 	snop  }
__scs_overlays_trampoline_lowered:
0x8: {  	[smem:$0x3FAA] =	sst s0  }
0x9: {  	[smem:$0x3FAB] =	sst s1  }
0xa: {  	[smem:$0x3FAC] =	sst s2  }
0xb: {  	[smem:$0x3FAD] =	sst s3  }
0xc: {  	[smem:$0x3FAE] =	sst s4  }
0xd: {  	[smem:$0x3FAF] =	sst s5  }
0xe: {  	[smem:$0x3FB0] =	sst s6  }
0xf: {  	[smem:$0x3FB1] =	sst s7  }
0x10: {  	[smem:$0x3FB2] =	sst s8  }
0x11: {  	[smem:$0x3FB3] =	sst s9;
	s0 =	simm.s32 @!p0 $0x0  }
0x12: {  	s1 =	sld [smem:$0x3F99];
	s0 =	simm.s32 @p0 $0x1  }
0x13: {  	[smem:$0x3FB4] =	sst s0;
	s0 =	simm.s32 @!p1 $0x0  }
0x14: {  	s2 =	sld [smem:$0x3F98];
	s0 =	simm.s32 @p1 $0x1  }
0x15: {  	[smem:$0x3FB5] =	sst s0;
	s0 =	simm.s32 @!p2 $0x0  }
0x16: {  	s3 =	sld [smem:$0x3FDB];
	s0 =	simm.s32 @p2 $0x1  }
0x17: {  	s4 =	simm.s32 $0x1BF5;
	[smem:$0x3FB7] =	sst s0  }
0x18: {  	s0 =	sld [smem:$0x3F9A];
	_ =	swait.ge [sflag:s4], $0x0  }
0x19: {  	s7 =	sld [smem:$0x3F9B]  }
0x1a: {  	s8 =	sadd.s32 $0xFFFFE003, lr  }
0x1b: {  	s9 =	sadd.s32 $0xFFFFFEF7, lr;
	s5 =	simm.s32 $0xFFFFFFFF;
	p2 =	slt.u32 s8, $0xFFFFF086  }
0x1c: {  	p1 =	slt.u32 s9, $0xF7A;
	s5 =	simm.s32 @!p2 $0x0  }
0x1d: {  	s5 =	simm.s32 @p1 $0x1;
	p0 =	seq.s32 s7, s2  }
0x1e: {  	s7 =	smul.u32 @!p0 $0xF7A, s2;
	p2 =	seq.s32 @!p0 s5, $0x0  }
0x1f: {  	s9 =	smul.u32 $0xF7A, s1;
	s8 =	simm.s32 @!p0 $0x1BF5;
	p2 =	por !p2, p0  }
0x20: {  	[sflag:s8] =	ssyncset.s32 @!p0 $0xFFFFF086;
	s6 =	sadd.s32 @!p0 s3, s7;
	s7 =	simm.s32 @!p0 $0x108  }
0x21: {  	s3 =	sadd.s32 s3, s9;
	s6 =	sadd.s32 @!p0 $0x88, s6;
	s7 =	simm.s32 @p2 $0x1082  }
0x22: {  	[simem:s7], [sflag:s8] =	dma.local @!p0 [hbm:s6], $0xF7A  }
0x23: {  	s9 =	sor.u32 $0xD0000000, s2;
	s6 =	simm.s32 $0x108;
	_ =	swait.ge @!p0 [sflag:s8], $0x0  }
0x24: {  	s3 =	sadd.s32 $0x88, s3;
	s6 =	simm.s32 @!p1 $0x1082;
	[sflag:s4] =	ssyncset.s32 $0xFFFFF086  }
0x25: {  	[simem:s6], [sflag:s4] =	dma.local [hbm:s3], $0xF7A  }
0x26: {  	[smem:$0x3F9B] =	sst s1;
	(tag) =	ssettag s2;
	_ =	strace s9  }
0x27: {  	s1 =	sld [smem:$0x3FAB]  }
0x28: {  	s2 =	sld [smem:$0x3FAC]  }
0x29: {  	s4 =	sld [smem:$0x3FAE]  }
0x2a: {  	p0 =	seq.s32 s5, $0x0;
	s5 =	sld [smem:$0x3FAF]  }
0x2b: {  	s6 =	sld [smem:$0x3FB0]  }
0x2c: {  	s7 =	sld [smem:$0x3FB1]  }
0x2d: {  	s3 =	simm.s32 $0x108;
	s8 =	sld [smem:$0x3FB2]  }
0x2e: {  	s3 =	simm.s32 @!p0 $0x1082;
	s9 =	sld [smem:$0x3FB3]  }
0x2f: {  	lr =	sadd.s32 s0, s3;
	s0 =	sld [smem:$0x3FAA]  }
0x30: {  	s3 =	sld [smem:$0x3FAD]  }
0x31: {  	[smem:$0x3FB6] =	sst s10  }
0x32: {  	s10 =	sld [smem:$0x3FB4];
	_ =	sdelay $0x3  }
0x33: {  	p0 =	seq.s32 s10, $0x1;
	s10 =	sld [smem:$0x3FB6];
	_ =	sdelay $0x3  }
0x34: {  	[smem:$0x3FB6] =	sst s10  }
0x35: {  	s10 =	sld [smem:$0x3FB5];
	_ =	sdelay $0x3  }
0x36: {  	p1 =	seq.s32 s10, $0x1;
	s10 =	sld [smem:$0x3FB6];
	_ =	sdelay $0x3  }
0x37: {  	[smem:$0x3FB6] =	sst s10  }
0x38: {  	s10 =	sld [smem:$0x3FB7]  }
0x39: {  	_ = 	snop;
	(pc) =	sbr.ind lr, $3  }
0x3a: {  	_ = 	snop  }
0x3b: {  	_ = 	snop  }
0x3c: {  	p2 =	seq.s32 s10, $0x1;
	s10 =	sld [smem:$0x3FB6]  }
0x3d: {  	_ =	shalt  }
0x3e: {  	_ =	shalt  }
0x3f: {  	_ =	shalt  }
0x40: {  	_ =	shalt  }
0x41: {  	_ =	shalt  }
0x42: {  	_ =	shalt  }
0x43: {  	_ =	shalt  }
0x44: {  	_ =	shalt  }
0x45: {  	_ =	shalt  }
0x46: {  	_ =	shalt  }
0x47: {  	_ =	shalt  }
0x48: {  	_ =	shalt  }
0x49: {  	_ =	shalt  }
0x4a: {  	_ =	shalt  }
0x4b: {  	_ =	shalt  }
0x4c: {  	_ =	shalt  }
0x4d: {  	_ =	shalt  }
0x4e: {  	_ =	shalt  }
0x4f: {  	_ =	shalt  }
0x50: {  	_ =	shalt  }
0x51: {  	_ =	shalt  }
0x52: {  	_ =	shalt  }
0x53: {  	_ =	shalt  }
0x54: {  	_ =	shalt  }
0x55: {  	_ =	shalt  }
0x56: {  	_ =	shalt  }
0x57: {  	_ =	shalt  }
0x58: {  	_ =	shalt  }
0x59: {  	_ =	shalt  }
0x5a: {  	_ =	shalt  }
0x5b: {  	_ =	shalt  }
0x5c: {  	_ =	shalt  }
0x5d: {  	_ =	shalt  }
0x5e: {  	_ =	shalt  }
0x5f: {  	_ =	shalt  }
0x60: {  	_ =	shalt  }
0x61: {  	_ =	shalt  }
0x62: {  	_ =	shalt  }
0x63: {  	_ =	shalt  }
0x64: {  	_ =	shalt  }
0x65: {  	_ =	shalt  }
0x66: {  	_ =	shalt  }
0x67: {  	_ =	shalt  }
0x68: {  	_ =	shalt  }
0x69: {  	_ =	shalt  }
0x6a: {  	_ =	shalt  }
0x6b: {  	_ =	shalt  }
0x6c: {  	_ =	shalt  }
0x6d: {  	_ =	shalt  }
0x6e: {  	_ =	shalt  }
0x6f: {  	_ =	shalt  }
0x70: {  	_ =	shalt  }
0x71: {  	_ =	shalt  }
0x72: {  	_ =	shalt  }
0x73: {  	_ =	shalt  }
0x74: {  	_ =	shalt  }
0x75: {  	_ =	shalt  }
0x76: {  	_ =	shalt  }
0x77: {  	_ =	shalt  }
0x78: {  	_ =	shalt  }
0x79: {  	_ =	shalt  }
0x7a: {  	_ =	shalt  }
0x7b: {  	_ =	shalt  }
0x7c: {  	_ =	shalt  }
0x7d: {  	_ =	shalt  }
0x7e: {  	_ =	shalt  }
0x7f: {  	_ =	shalt  }
0x80: {  	_ =	shalt  }
0x81: {  	_ =	shalt  }
0x82: {  	_ =	shalt  }
0x83: {  	_ =	shalt  }
0x84: {  	_ =	shalt  }
0x85: {  	_ =	shalt  }
0x86: {  	_ =	shalt  }
0x87: {  	_ =	shalt  }
.Lfunc_end0:
.L_simem_size_0:
called_computation_lowered:
.L_overlay_start_0:
0x88: {  	s2 =	sld [smem:$0x3FD9]  }
0x89: {  	s3 =	sld [smem:$0x3FFE];
	_ =	sdelay $0x1  }
0x8a: {  	s1 =	srdreg.scid  }
0x8b: {  	s0 =	sand.u32 $0x1, s1  }
0x8c: {  	s17 =	sshll.u32 s0, $0xA;
	s2 =	sadd.s32 s3, s2  }
0x8d: {  	s2 =	sadd.s32 s2, s17  }
0x8e: {  	[smem:$0x3FC2] =	sst s2  }
0x8f: {  	_ = 	snop  }
0x90: {  	s2 =	sld [smem:$0x3FC8];
	(tm) =	ssettm $0x1  }
0x91: {  	s18 =	sld [smem:$0x3FFB];
	_ =	sdelay $0x3  }
0x92: {  	_ =	strace s18  }
0x93: {  	s3 =	sld [smem:$0x3FFC];
	_ =	sdelay $0x3  }
0x94: {  	_ =	strace s3  }
0x95: {  	s3 =	sld [smem:$0x3FFD];
	_ =	sdelay $0x3  }
0x96: {  	_ =	strace s3  }
0x97: {  	_ =	strace $0x8FFFFFFF  }
0x98: {  	s19 =	sld [smem:$0x3FDB];
	_ =	sdelay $0x1  }
0x99: {  	s4 =	simm.s32 $_scs_section_size  }
0x9a: {  	s5 =	simm.s32 $_size__tile_overlayer_lowered;
	s6 =	simm.s32 $_tile_overlayer_lowered  }
0x9b: {  	s22 =	simm.s32 $0x1BFF;
	s21 =	sshll.u32 s6, $0x1;
	s3 =	sadd.s32 s4, s19  }
0x9c: {  	s7 =	simm.s32 $0x0;
	s20 =	sshll.u32 s5, $0x1;
	s5 =	sadd.s32 s21, s3  }
0x9d: {  	[timem:s7], [sflag:s22] =	dma.local [hbm:s5], s20  }
0x9e: {  	_ =	swait.ge [sflag:s22], s20  }
0x9f: {  	s4 =	ssub.s32 $0x0, s20;
	[sflag:s22] =	ssyncset.done $0x0  }
0xa0: {  	[sflag:s22] =	ssyncadd.s32 s4;
	_ =	sdelay $0x1  }
0xa1: {  	s23 =	simm.s32 $0x1B8B  }
0xa2: {  	_ =	swait.ge [sflag:s23], $0x1  }
0xa3: {  	[sflag:s23] =	ssyncset.done $0x0  }
0xa4: {  	s25 =	simm.s32 $0x1B8E;
	s24 =	sld [smem:$0x3FFE];
	[sflag:s23] =	ssyncadd.s32 $0xFFFFFFFF  }
0xa5: {  	s26 =	simm.s32 $execute0_lowered;
	[smem:$0x3FD2] =	sst s25  }
0xa6: {  	s5 =	sshll.u32 s26, $0x1;
	_ =	strace $0x80000046;
	[dreg:$0x1] =	wrdreg $0xFFFFFFFF  }
0xa7: {  	s28 =	simm.s32 $_size_execute0_lowered;
	s3 =	sadd.s32 s3, s5;
	[dreg:$0x0] =	wrdreg $0x0  }
0xa8: {  	s5 =	sshll.u32 s28, $0x1;
	[dreg:$0x2] =	wrdreg s3  }
0xa9: {  	[dreg:$0x3] =	wrdreg s5  }
0xaa: {  	[dreg:$0x4] =	wrdreg $0xC0  }
0xab: {  	_ =	task [dreg:s7], $0x5FFFF  }
0xac: {  	[dreg:$0x1] =	wrdreg $0xFFFFFFFF  }
0xad: {  	[dreg:$0x0] =	wrdreg $0x60  }
0xae: {  	[dreg:$0x2] =	wrdreg s24  }
0xaf: {  	[dreg:$0x3] =	wrdreg s2  }
0xb0: {  	[dreg:$0x4] =	wrdreg $0xC0000  }
0xb1: {  	[dreg:$0x5] =	wrdreg $0x110000  }
0xb2: {  	[dreg:$0x6] =	wrdreg $0x9  }
0xb3: {  	_ =	task.clear_ibuf [dreg:s7], $0x7FFFF;
	_ =	strace $0x90000046  }
0xb4: {  	s29 =	simm.s32 $0x9;
	_ =	strace $0x80000048  }
0xb5: {  	_ =	swait.ge [sflag:s29], $0x1  }
0xb6: {  	[sflag:s29] =	ssyncadd.s32 $0xFFFFFFFF  }
0xb7: {  	_ =	strace $0x90000048  }
0xb8: {  	_ =	sfence  }
0xb9: {  	s30 =	sld [smem:$0x0];
	_ =	sdelay $0x2  }
0xba: {  	s31 =	sshll.u32 s1, $0xD;
	s1 =	sshrl.u32 s1, $0x2  }
0xbb: {  	s3 =	sand.u32 $0x4000, s31;
	s1 =	sadd.s32 s1, s30  }
0xbc: {  	s0 =	sor.u32 s3, s0;
	s1 =	sshll.u32 s1, $0x11  }
0xbd: {  	s0 =	sor.u32 s1, s0  }
0xbe: {  	s0 =	sadd.s32 $0x8F2B, s0  }
0xbf: {  	[sflag:s0] =	ssyncadd.remote.s32 $0x1  }
0xc0: {  	_ =	sfence.sel $0xFFFF  }
0xc1: {  	[dreg:$0x0] =	wrdreg $0xFFFFFFFF;
	(pc) =	sbr.abs _section_cstart, $3  }
0xc2: {  	[dreg:$0x1] =	wrdreg $0xFFFFFFFF  }
0xc3: {  	_ =	task.clear_ibuf [dreg:s7], $0x2FFFF;
	_ =	strace $0x9FFFFFFF  }
0xc4: {  	(tm) =	ssettm $0x7FFFFFFF  }
0xc5: {  	_ =	shalt  }
tec
execute0_lowered:
.L_overlay_start_1:
0x0: {  	(tag) =	ssettag $0x1  }
0x1: {  	s5 =	rddreg [dreg:$0x0]  }
0x2: {  	s9 =	rddreg [dreg:$0x1]  }
0x3: {  	s2 =	rddreg [dreg:$0x2];
	s1 =	srdreg.scid  }
0x4: {  	s0 =	stileid.u32;
	s3 =	rddreg [dreg:$0x3];
	s4 =	simm.s32 $0x0  }
0x5: {  	s17 =	simm.s32 $0x80;
	s18 =	simm.s32 $0xA000;
	s19 =	simm.s32 $0x2  }
0x6: {  	s20 =	simm.s32 $0x9F80;
	s21 =	simm.s32 $0xB000;
	s8 =	smul.u32 $0x5000, s0  }
0x7: {  	s22 =	simm.s32 $0x0;
	s6 =	sand.u32 $0x1, s1;
	s10 =	smul.u32 $0xA0, s0  }
0x8: {  	[smem:$0x7FF] =	sst s4;
	s26 =	sshll.u32 s0, $0x6;
	s28 =	smul.u32 $0x28000, s0  }
0x9: {  	s7 =	smul.u32 $0x50000, s6;
	_ =	strace $0x80000047;
	s6 =	ssub.s32 $0x2, s6  }
0xa: {  	s11 =	sshrl.u32 s6, $0x1;
	s12 =	smin.u32 s10, $0x924;
	s15 =	sadd.s32 s8, s2  }
0xb: {  	s16 =	sadd.s32 s8, s3;
	s7 =	sadd.s32 s8, s7;
	s14 =	ssub.s32 s6, s11  }
0xc: {  	s29 =	sshll.u32 s12, $0x5;
	s16 =	sshrl.u32 s16, $0x3;
	s7 =	sshrl.u32 s7, $0x3  }
0xd: {  	s9 =	sadd.s32 s9, s29;
	s13 =	sadd.s32 s7, s5;
	s5 =	ssub.s32 s10, s12  }
.Ltmp0:
0xe: {  	s7 =	sor.u32 $0x1C03, s26;
	s12 =	sshll.u32 s12, $0xA;
	(pc) =	sbr.rel .LBB2_1-.Ltmp0, $4  }
0xf: {  	s6 =	sadd.s32 $0x15800, s13;
	s8 =	sadd.s32 $0x1800, s13;
	s30 =	sshll.u32 s5, $0xA  }
0x10: {  	s12 =	ssub.s32 s28, s12;
	s11 =	sadd.s32 $0x29800, s13;
	p0 =	sgt.u32 s5, $0x9F  }
0x11: {  	s10 =	sshra.s32 s30, $0x2;
	s31 =	sor.u32 $0x200, s12;
	s12 =	smax.u32 s14, $0x1  }
0x12: {  	s14 =	sshrl.u32 s15, $0x3;
	s15 =	simm.s32 $0x3;
	s13 =	sshra.s32 s31, $0x2  }
.LBB2_3:
0x13: {  	s23 =	smov.u32 s5;
	s24 =	smov.u32 s13  }
.LBB2_6:
0x14: {  	s1 =	simm.s32 @!p1 $0x80;
	_ =	swait.ge @p2 [sflag:s15], $0x1000;
	s26 =	sshll.u32 @!p1 s28, $0xC  }
0x15: {  	s28 =	sadd.s32 @!p1 $0x1, s28;
	s23 =	sand.u32 $0x1, s23;
	[sflag:s15] =	ssyncset.done @p2 $0x0  }
0x16: {  	s26 =	sor.u32 @!p1 $0xA000, s26;
	s31 =	sadd.s32 $0x1, s23;
	[sflag:s15] =	ssyncadd.s32 @p2 $0xFFFFF000  }
0x17: {  	[tilespmem:s26], [sflag:s28] =	stream.indirect.gather @!p1 [spmem:s3], $0x20, s25, s1, $0xb8;
	[tilespmem:$0x16000] =	vst v63  }
0x18: {  	_ =	swait.ge [sflag:s31], $0x1000  }
0x19: {  	s23 =	sshll.u32 s23, $0xC;
	[sflag:s31] =	ssyncset.done $0x0  }
0x1a: {  	s23 =	sor.u32 $0xA000, s23;
	[sflag:s31] =	ssyncadd.s32 $0xFFFFF000  }
0x1b: {  	[spmem:s2] =	stream.indirect.scatter.add.f32 [tilespmem:s23], [sflag:$0x3], $0x20, s24, s17, $0xb8;
	[tilespmem:$0x16000] =	vst v63  }
0x1c: {  	_ =	swait.ge [sflag:s15], $0x1000  }
0x1d: {  	[sflag:s15] =	ssyncset.done $0x0  }
0x1e: {  	[sflag:s15] =	ssyncadd.s32 $0xFFFFF000  }
0x1f: {  	_ =	swait.ge [sflag:s19], $0x1000  }
0x20: {  	[sflag:s19] =	ssyncset.done $0x0  }
0x21: {  	[sflag:s19] =	ssyncadd.s32 $0xFFFFF000  }
0x22: {  	[spmem:s2] =	stream.indirect.scatter.add.f32 [tilespmem:s21], [sflag:$0x3], $0x20, s20, s17, $0xb8;
	[tilespmem:$0x16000] =	vst v63  }
0x23: {  	_ =	swait.ge [sflag:s15], $0x1000  }
0x24: {  	[sflag:s15] =	ssyncset.done $0x0  }
0x25: {  	[sflag:s15] =	ssyncadd.s32 $0xFFFFF000  }
.LBB2_7:
0x26: {  	s22 =	sadd.s32 $0x1, s22  }
0x27: {  	p1 =	sne.s32 s22, s12  }
.Ltmp1:
0x28: {  	[bflag:$0x0] =	sbarrier.arrive $0xFFFF;
	(pc) =	sbr.rel @!p1 .LBB2_8-.Ltmp1, $4  }
0x29: {  	[hbm:s11], [sflag:s7] =	dma.local [spmem:s14], $0xA00  }
0x2a: {  	_ =	swait.ge [sflag:s15], $0xA00  }
0x2b: {  	[sflag:s15] =	ssyncset.done $0x0  }
0x2c: {  	[sflag:s15] =	ssyncadd.s32 $0xFFFFF600  }
.LBB2_1:
0x2d: {  	[spmem:s14], [sflag:s7] =	dma.local [hbm:s6], $0xA00  }
0x2e: {  	_ =	swait.ge [sflag:s15], $0xA00  }
0x2f: {  	[sflag:s15] =	ssyncset.done $0x0  }
0x30: {  	[sflag:s15] =	ssyncadd.s32 $0xFFFFF600  }
0x31: {  	[spmem:s16], [sflag:s7] =	dma.local [hbm:s8], $0xA00  }
0x32: {  	_ =	swait.ge [sflag:s15], $0xA00  }
0x33: {  	[sflag:s15] =	ssyncset.done $0x0  }
0x34: {  	[sflag:s15] =	ssyncadd.s32 $0xFFFFF600  }
0x35: {  	[tilespmem:s4], [sflag:$0x3] =	stream.linear.gather [hbm4b:s9+s4], $0xA000, $0x38;
	[tilespmem:$0x16000] =	vst v63  }
.Ltmp2:
0x36: {  	_ =	swait.ge [sflag:s15], $0xA000;
	(pc) =	sbr.rel @p0 .LBB2_7-.Ltmp2, $4  }
0x37: {  	[sflag:s15] =	ssyncset.done $0x0  }
0x38: {  	[sflag:s15] =	ssyncadd.s32 $0xFFFF6000  }
0x39: {  	[bflag:$0x0] =	sbarrier.arrive $0xFFFF  }
0x3a: {  	[tilespmem:s18], [sflag:$0x1] =	stream.indirect.gather [spmem:s3], $0x20, s10, s17, $0xb8;
	[tilespmem:$0x16000] =	vst v63  }
0x3b: {  	s23 =	sadd.s32 $0x1, s5  }
0x3c: {  	p3 =	sne.s32 s23, $0x9F  }
.Ltmp3:
0x3d: {  	_ = 	snop;
	(pc) =	sbr.rel @!p3 .LBB2_3-.Ltmp3, $3  }
0x3e: {  	_ =	sdelay $0x1  }
0x3f: {  	p1 =	seq.s32 s5, $0x9F  }
0x40: {  	p2 =	por $0x0, $0x0;
	s28 =	sand.u32 @!p1 $0x1, s23;
	s25 =	sadd.s32 @!p1 $0x80, s13  }
0x41: {  	s26 =	sshll.u32 @!p1 s28, $0xC  }
0x42: {  	s24 =	simm.s32 @!p1 $0x80;
	s28 =	sadd.s32 @!p1 $0x1, s28;
	s26 =	sor.u32 @!p1 $0xA000, s26  }
0x43: {  	[tilespmem:s26], [sflag:s28] =	stream.indirect.gather @!p1 [spmem:s3], $0x20, s25, s24, $0xb8;
	[tilespmem:$0x16000] =	vst v63  }
0x44: {  	s29 =	sand.u32 $0x1, s5;
	s26 =	sadd.s32 $0x1, s23  }
0x45: {  	s30 =	sadd.s32 $0x1, s29;
	p3 =	sne.s32 s26, $0x9F  }
.Ltmp4:
0x46: {  	s31 =	sshll.u32 s29, $0xC;
	_ =	swait.ge [sflag:s30], $0x1000;
	(pc) =	sbr.rel @!p3 .LBB2_6-.Ltmp4, $4  }
0x47: {  	s25 =	sor.u32 $0xA000, s31;
	[sflag:s30] =	ssyncset.done $0x0  }
0x48: {  	s24 =	sadd.s32 $0x100, s13;
	p1 =	seq.s32 s23, $0x9F;
	[sflag:s30] =	ssyncadd.s32 $0xFFFFF000  }
0x49: {  	[spmem:s2] =	stream.indirect.scatter.add.f32 [tilespmem:s25], [sflag:$0x3], $0x20, s13, s17, $0xb8;
	[tilespmem:$0x16000] =	vst v63  }
0x4a: {  	p2 =	por $0x1, $0x1;
	s28 =	sand.u32 @!p1 $0x1, s26;
	s25 =	sadd.s32 @!p1 $0x80, s24  }
.LBB2_5:
0x4b: {  	s29 =	simm.s32 @!p1 $0x80  }
0x4c: {  	_ =	swait.ge [sflag:s15], $0x1000;
	s30 =	smov.u32 s23;
	s23 =	smov.u32 s26  }
0x4d: {  	s26 =	sadd.s32 $0x1, s26;
	s31 =	smov.u32 s24;
	s1 =	sshll.u32 @!p1 s28, $0xC  }
0x4e: {  	s28 =	sadd.s32 @!p1 $0x1, s28;
	[sflag:s15] =	ssyncset.done $0x0;
	s1 =	sor.u32 @!p1 $0xA000, s1  }
0x4f: {  	s30 =	sand.u32 $0x1, s30;
	p3 =	sne.s32 s26, $0x9F;
	[sflag:s15] =	ssyncadd.s32 $0xFFFFF000  }
0x50: {  	[tilespmem:s1], [sflag:s28] =	stream.indirect.gather @!p1 [spmem:s3], $0x20, s25, s29, $0xb8;
	[tilespmem:$0x16000] =	vst v63  }
.Ltmp5:
0x51: {  	s1 =	sshll.u32 s30, $0xC;
	s29 =	sadd.s32 $0x1, s30;
	(pc) =	sbr.rel @p3 .LBB2_5-.Ltmp5, $4  }
0x52: {  	s24 =	sadd.s32 $0x100, s24;
	_ =	swait.ge [sflag:s29], $0x1000  }
0x53: {  	p1 =	seq.s32 s23, $0x9F;
	s1 =	sor.u32 $0xA000, s1;
	[sflag:s29] =	ssyncset.done $0x0  }
0x54: {  	s28 =	sand.u32 @!p1 $0x1, s26;
	s25 =	sadd.s32 @!p1 $0x80, s24;
	[sflag:s29] =	ssyncadd.s32 $0xFFFFF000  }
0x55: {  	[spmem:s2] =	stream.indirect.scatter.add.f32 [tilespmem:s1], [sflag:$0x3], $0x20, s31, s17, $0xb8;
	[tilespmem:$0x16000] =	vst v63  }
.Ltmp6:
0x56: {  	_ = 	snop;
	(pc) =	sbr.rel .LBB2_6-.Ltmp6, $1  }
0x57: {  	_ =	sdelay $0x3  }
.LBB2_8:
0x58: {  	_ =	sfence.sel $0x180000  }
0x59: {  	[bflag:$0x0] =	sbarrier.arrive $0xFFFF  }
0x5a: {  	_ =	strace $0x90000047  }
0x5b: {  	[bflag:$0x2] =	sbarrier.arrive $0xFFFF  }
0x5c: {  	p0 =	sne.s32 s0, $0x0;
	s0 =	rddreg [dreg:$0x4]  }
0x5d: {  	s0 =	sadd.s32 @!p0 $0x100000, s0  }
0x5e: {  	[sflag:s0] =	ssyncadd.tile.s32 @!p0 $0x1;
	_ =	shalt  }
.Lfunc_end2:
_tile_overlayer_lowered:
.L_overlay_start_2:
0x5f: {  	(tag) =	ssettag $0x2  }
0x60: {  	s0 =	rddreg [dreg:$0x0];
	s2 =	stileid.u32  }
0x61: {  	s1 =	rddreg [dreg:$0x1];
	p0 =	sne.s32 s2, $0x0  }
0x62: {  	s3 =	rddreg [dreg:$0x2];
	[bflag:$0x3] =	sbarrier.arrive $0xFFFF;
	s2 =	simm.s32 @!p0 $0x1C03  }
0x63: {  	[timem:s3], [sflag:s2] =	dma.local @!p0 [hbm:s0], s1  }
0x64: {  	s0 =	simm.s32 @!p0 $0x3  }
0x65: {  	_ =	swait.ge @!p0 [sflag:s0], s1  }
0x66: {  	s1 =	ssub.s32 @!p0 $0x0, s1;
	[sflag:s0] =	ssyncset.done @!p0 $0x0  }
0x67: {  	[sflag:s0] =	ssyncadd.s32 @!p0 s1  }
0x68: {  	[bflag:$0x3] =	sbarrier.arrive $0xFFFF  }
0x69: {  	_ =	shalt  }

</sc_bundles>
